<compile_context>
chip_gen: v7x
topology: tpu7x:2x2x1
jax: 0.10.2.dev20260603
libtpu: 0.0.44.dev20260713+nightly
codegen_flags: <defaults>
</compile_context>

<pallas_src>
import jax
import jax.numpy as jnp
from jax import lax
from jax.experimental import pallas as pl
from jax.experimental.pallas import tpu as pltpu
from jax.experimental.pallas import tpu_sc as plsc

_E = 16
_B = 1024
_IN = 320
_INP = 384
_H = 256
_TILE = 64
_NSLOT = 2048
_NT = _NSLOT // _TILE
_NW = 32
_SPW = _B // _NW


def _route_body(x_hbm, skill_hbm, xs_hbm, dst_hbm, eot_hbm,
                skill_v, tbl_v, snap_v, chunk_v, dst_v, rows_v, eot_v, sem):
    c = lax.axis_index("c")
    s = lax.axis_index("s")
    wid = s * 2 + c

    pltpu.sync_copy(skill_hbm, skill_v)

    ones = jnp.ones((16,), jnp.int32)
    zeros = jnp.zeros((16,), jnp.int32)

    tbl_v[...] = zeros
    my_chunk = wid * (_SPW // 16)

    def hist_step(i, carry):
        sc = skill_v[pl.ds(i * 16, 16)]
        plsc.addupdate_scatter(tbl_v, [sc], ones)
        return carry

    lax.fori_loop(0, my_chunk, hist_step, 0)
    snap_v[...] = tbl_v[...]
    lax.fori_loop(my_chunk, _B // 16, hist_step, 0)

    totals = tbl_v[...]
    prefix_mine = snap_v[...]
    cap = ((totals + (_TILE - 1)) // _TILE) * _TILE
    end_incl = plsc.cumsum(cap)
    base_excl = end_incl - cap

    tbl_v[...] = base_excl + prefix_mine
    base_i = wid * _SPW

    li = lax.iota(jnp.int32, 16)
    for k in range(_SPW // 16):
        sc = skill_v[pl.ds(base_i + k * 16, 16)]
        chunk_v[...] = sc
        base = plsc.load_gather(tbl_v, [sc])

        def win_step(j, w):
            sj = plsc.load_gather(chunk_v, [jnp.full((16,), j, jnp.int32)])
            return w + jnp.where((sc == sj) & (li > j), 1, 0)

        within = lax.fori_loop(0, 15, win_step, zeros)
        dst_v[pl.ds(k * 16, 16)] = base + within
        plsc.addupdate_scatter(tbl_v, [sc], ones)

    pltpu.sync_copy(x_hbm.at[pl.ds(base_i, _SPW)], rows_v)
    pltpu.async_copy(rows_v, xs_hbm.at[dst_v], sem).wait()
    pltpu.sync_copy(dst_v, dst_hbm.at[pl.ds(base_i, _SPW)])

    @pl.when(jnp.logical_and(c == 0, s == 0))
    def _eot():
        snap_v[...] = end_incl
        t0 = lax.iota(jnp.int32, 16) * _TILE
        t1 = (lax.iota(jnp.int32, 16) + 16) * _TILE

        def eot_step(e, accs):
            a0, a1 = accs
            endv = plsc.load_gather(snap_v, [jnp.full((16,), e, jnp.int32)])
            a0 = a0 + jnp.where(endv <= t0, 1, 0)
            a1 = a1 + jnp.where(endv <= t1, 1, 0)
            return (a0, a1)

        z = jnp.zeros((16,), jnp.int32)
        a0, a1 = lax.fori_loop(0, _E, eot_step, (z, z))
        eot_v[pl.ds(0, 16)] = jnp.minimum(a0, _E - 1)
        eot_v[pl.ds(16, 16)] = jnp.minimum(a1, _E - 1)
        pltpu.sync_copy(eot_v, eot_hbm)


_route = pl.kernel(
    _route_body,
    out_type=(
        jax.ShapeDtypeStruct((_NSLOT, _INP), jnp.float32),
        jax.ShapeDtypeStruct((_B,), jnp.int32),
        jax.ShapeDtypeStruct((_NT,), jnp.int32),
    ),
    mesh=plsc.VectorSubcoreMesh(core_axis_name="c", subcore_axis_name="s"),
    compiler_params=pltpu.CompilerParams(needs_layout_passes=False),
    scratch_types=[
        pltpu.VMEM((_B,), jnp.int32),
        pltpu.VMEM((16,), jnp.int32),
        pltpu.VMEM((16,), jnp.int32),
        pltpu.VMEM((16,), jnp.int32),
        pltpu.VMEM((_SPW,), jnp.int32),
        pltpu.VMEM((_SPW, _INP), jnp.float32),
        pltpu.VMEM((_NT,), jnp.int32),
        pltpu.SemaphoreType.DMA,
    ],
)


def _mlp_body(eot_ref, xs_ref, dst_ref, w1_ref, b1_ref, w2_ref, b2_ref,
              w3_ref, b3_ref, out_ref, ys_ref):
    t = pl.program_id(0)
    del eot_ref

    @pl.when(t < _NT)
    def _mlp():
        x = xs_ref[...][:, :_IN]
        h = jnp.dot(x, w1_ref[0], preferred_element_type=jnp.float32)
        h = jnp.maximum(h + b1_ref[0], 0.0)
        h = jnp.dot(h, w2_ref[0], preferred_element_type=jnp.float32)
        h = jnp.maximum(h + b2_ref[0], 0.0)
        logit = jnp.sum(h * w3_ref[0], axis=1, keepdims=True)
        ys_ref[pl.ds(t * _TILE, _TILE), :] = jax.nn.sigmoid(logit + b3_ref[0])

    @pl.when(t == _NT)
    def _unpermute():
        dst = dst_ref[...]
        acc = jnp.zeros((_B, 1), jnp.float32)
        for k in range(_NSLOT // 128):
            slot = k * 128 + lax.broadcasted_iota(jnp.int32, (_B, 128), 1)
            mask = (dst == slot).astype(jnp.float32)
            acc = acc + jnp.dot(mask, ys_ref[pl.ds(k * 128, 128), :],
                                preferred_element_type=jnp.float32,
                                precision=lax.Precision.HIGHEST)
        out_ref[...] = acc


def kernel(observation, action, skill_idx, W1, b1, W2, b2, W3, b3):
    x = jnp.concatenate(
        [observation, action,
         jnp.zeros((_B, _INP - _IN), jnp.float32)], axis=1)
    skill = skill_idx.astype(jnp.int32)

    xs, dst, eot = _route(x, skill)

    b1r = b1.reshape(_E, 1, _H)
    b2r = b2.reshape(_E, 1, _H)
    w3r = W3.reshape(_E, 1, _H)
    b3r = b3.reshape(_E, 1, 1)

    grid_spec = pltpu.PrefetchScalarGridSpec(
        num_scalar_prefetch=1,
        grid=(_NT + 1,),
        in_specs=[
            pl.BlockSpec((_TILE, _INP),
                         lambda t, eot: (jnp.minimum(t, _NT - 1), 0)),
            pl.BlockSpec((_B, 1), lambda t, eot: (0, 0)),
            pl.BlockSpec((1, _IN, _H),
                         lambda t, eot: (eot[jnp.minimum(t, _NT - 1)], 0, 0)),
            pl.BlockSpec((1, 1, _H),
                         lambda t, eot: (eot[jnp.minimum(t, _NT - 1)], 0, 0)),
            pl.BlockSpec((1, _H, _H),
                         lambda t, eot: (eot[jnp.minimum(t, _NT - 1)], 0, 0)),
            pl.BlockSpec((1, 1, _H),
                         lambda t, eot: (eot[jnp.minimum(t, _NT - 1)], 0, 0)),
            pl.BlockSpec((1, 1, _H),
                         lambda t, eot: (eot[jnp.minimum(t, _NT - 1)], 0, 0)),
            pl.BlockSpec((1, 1, 1),
                         lambda t, eot: (eot[jnp.minimum(t, _NT - 1)], 0, 0)),
        ],
        out_specs=pl.BlockSpec((_B, 1), lambda t, eot: (0, 0)),
        scratch_shapes=[pltpu.VMEM((_NSLOT, 1), jnp.float32)],
    )
    out = pl.pallas_call(
        _mlp_body,
        grid_spec=grid_spec,
        out_shape=jax.ShapeDtypeStruct((_B, 1), jnp.float32),
    )(eot, xs, dst.reshape(_B, 1), W1, b1r, W2, b2r, w3r, b3r)
    return out

# --- scband reference (transcript-rebuilt; emitter-appended) ---
"""Pipeline reference for scband-multi-discriminator-72164040507566 (READ-ONLY COPY).

The authoritative reference and input builder live on the scoring server;
editing this copy changes nothing except your own understanding.
"""

import jax, jax.numpy as jnp
import numpy as np

NUM_SKILLS = 16
OBS_DIM = 256
ACT_DIM = 64
H1 = 256
H2 = 256
BATCH = 1024


def setup_inputs(seed: int = 0) -> dict:
    key = jax.random.key(seed)
    ks = jax.random.split(key, 10)
    in_dim = OBS_DIM + ACT_DIM
    observation = jax.random.normal(ks[0], (BATCH, OBS_DIM), dtype=jnp.float32)
    action = jax.random.normal(ks[1], (BATCH, ACT_DIM), dtype=jnp.float32)
    skill_idx = jax.random.randint(ks[2], (BATCH,), 0, NUM_SKILLS, dtype=jnp.int64) if jax.config.jax_enable_x64 else jax.random.randint(ks[2], (BATCH,), 0, NUM_SKILLS, dtype=jnp.int32)
    # Stacked per-skill discriminator MLP parameters (one expert per skill).
    W1 = jax.random.normal(ks[3], (NUM_SKILLS, in_dim, H1), dtype=jnp.float32) * (1.0 / np.sqrt(in_dim))
    b1 = jnp.zeros((NUM_SKILLS, H1), dtype=jnp.float32)
    W2 = jax.random.normal(ks[4], (NUM_SKILLS, H1, H2), dtype=jnp.float32) * (1.0 / np.sqrt(H1))
    b2 = jnp.zeros((NUM_SKILLS, H2), dtype=jnp.float32)
    W3 = jax.random.normal(ks[5], (NUM_SKILLS, H2, 1), dtype=jnp.float32) * (1.0 / np.sqrt(H2))
    b3 = jnp.zeros((NUM_SKILLS, 1), dtype=jnp.float32)
    return {"observation": observation, "action": action, "skill_idx": skill_idx,
            "W1": W1, "b1": b1, "W2": W2, "b2": b2, "W3": W3, "b3": b3}


def reference(observation, action, skill_idx, W1, b1, W2, b2, W3, b3):
    # MultiDiscriminator.forward: each sample i is routed to discriminator skill_idx[i].
    # Vectorized equivalent of the per-sample python loop: gather per-sample expert
    # weights (SparseCore gather) then batched matmuls.
    x = jnp.concatenate([observation, action], axis=-1)  # [B, in_dim]
    w1 = jnp.take(W1, skill_idx, axis=0)  # [B, in_dim, H1]
    h = jnp.einsum("bi,bih->bh", x, w1) + jnp.take(b1, skill_idx, axis=0)
    h = jax.nn.relu(h)
    w2 = jnp.take(W2, skill_idx, axis=0)  # [B, H1, H2]
    h = jnp.einsum("bh,bhk->bk", h, w2) + jnp.take(b2, skill_idx, axis=0)
    h = jax.nn.relu(h)
    w3 = jnp.take(W3, skill_idx, axis=0)  # [B, H2, 1]
    logit = jnp.einsum("bk,bko->bo", h, w3) + jnp.take(b3, skill_idx, axis=0)
    prob = jax.nn.sigmoid(logit)  # Discriminator outputs probability of expert, [B, 1]
    return prob

if __name__ == "__main__":
    import jax
    _d = setup_inputs()
    print(jax.jit(kernel)(*tuple(_d.values())))

</pallas_src>

<mosaic_0001>
#map = affine_map<(d0, d1) -> (0, 0)>
#map1 = affine_map<(d0, d1) -> (0)>
module attributes {stable_mosaic.version = 14 : i64} {
  func.func @_route_body(%arg0: i32, %arg1: i32, %arg2: memref<1024x384xf32, #tpu.memory_space<hbm>>, %arg3: memref<1024xi32, #tpu.memory_space<hbm>>, %arg4: memref<2048x384xf32, #tpu.memory_space<hbm>>, %arg5: memref<1024xi32, #tpu.memory_space<hbm>>, %arg6: memref<32xi32, #tpu.memory_space<hbm>>, %arg7: memref<1024xi32, #tpu.memory_space<vmem>>, %arg8: memref<16xi32, #tpu.memory_space<vmem>>, %arg9: memref<16xi32, #tpu.memory_space<vmem>>, %arg10: memref<16xi32, #tpu.memory_space<vmem>>, %arg11: memref<32xi32, #tpu.memory_space<vmem>>, %arg12: memref<32x384xf32, #tpu.memory_space<vmem>>, %arg13: memref<32xi32, #tpu.memory_space<vmem>>, %arg14: memref<!tpu.dma_semaphore, #tpu.memory_space<semaphore_mem>>) attributes {dimension_semantics = [#tpu.dimension_semantics<core_parallel>, #tpu.dimension_semantics<subcore_parallel>], iteration_bounds = array<i64: 2, 16>, scalar_prefetch = 0 : i64, scratch_operands = 8 : i64, tpu.core_type = #tpu.core_type<sc_vector_subcore>, window_params = [{transform_indices = #map}, {transform_indices = #map1}, {transform_indices = #map}, {transform_indices = #map1}, {transform_indices = #map1}]} {
    %mul3A = arith.constant 2 : i32
    %mul3A_0 = arith.muli %arg1, %mul3A : i32
    %add3A = arith.addi %mul3A_0, %arg0 : i32
    "tpu.region"() ({
      %run_scoped3A = tpu.sem_alloc : memref<!tpu.dma_semaphore, #tpu.memory_space<semaphore_mem>>
      tpu.enqueue_dma source(%arg3 : memref<1024xi32, #tpu.memory_space<hbm>>) target(%arg7 : memref<1024xi32, #tpu.memory_space<vmem>>) target_semaphore(%run_scoped3A : memref<!tpu.dma_semaphore, #tpu.memory_space<semaphore_mem>>)
      tpu.wait_dma2 semaphore(%run_scoped3A : memref<!tpu.dma_semaphore, #tpu.memory_space<semaphore_mem>>) src(%arg3 : memref<1024xi32, #tpu.memory_space<hbm>>) dst(%arg7 : memref<1024xi32, #tpu.memory_space<vmem>>)
      tpu.yield
    }) : () -> ()
    %broadcast_in_dim3A = arith.constant 1 : i32
    %broadcast_in_dim3A_1 = vector.broadcast %broadcast_in_dim3A : i32 to vector<16xi32>
    %broadcast_in_dim3A_2 = arith.constant 0 : i32
    %broadcast_in_dim3A_3 = vector.broadcast %broadcast_in_dim3A_2 : i32 to vector<16xi32>
    %swap3A = arith.constant 0 : index
    %swap3A_4 = tpu.vector_load %arg8[%swap3A] {strides = array<i32>} : memref<16xi32, #tpu.memory_space<vmem>>, vector<16xi32>,
    tpu.vector_store %arg8[%swap3A], %broadcast_in_dim3A_3 {strides = array<i32>} : memref<16xi32, #tpu.memory_space<vmem>>, vector<16xi32>,
    %mul3A_5 = arith.constant 2 : i32
    %mul3A_6 = arith.muli %add3A, %mul3A_5 : i32
    %while3A = arith.constant 0 : i32
    %while3A_7 = arith.constant 0 : i32
    %while3A_8 = arith.subi %mul3A_6, %while3A_7 : i32
    %while3A_9 = arith.addi %while3A_7, %while3A_8 : i32
    %while3A_10 = arith.constant 1 : i32
    %while3A_11 = arith.divsi %while3A_8, %while3A_10 : i32
    %while3A_12 = arith.muli %while3A_11, %while3A_10 : i32
    %while3A_13 = arith.addi %while3A_7, %while3A_12 : i32
    %while3A_14 = arith.constant 1 : i32
    scf.for %while3A_109 = %while3A_7 to %while3A_13 step %while3A_14  : i32 {
      %mul3A_110 = arith.constant 16 : i32
      %mul3A_111 = arith.muli %while3A_109, %mul3A_110 : i32
      %get3A_112 = arith.index_cast %mul3A_111 : i32 to index
      %get3A_113 = tpu.vector_load %arg7[%get3A_112] {strides = array<i32>} : memref<1024xi32, #tpu.memory_space<vmem>>, vector<16xi32>,
      tpu.vector_store_idx %arg8[%get3A_113], %broadcast_in_dim3A_1 {add = true} : memref<16xi32, #tpu.memory_space<vmem>>[vector<16xi32>], vector<16xi32>,
    }
    %while3A_15 = arith.constant 1 : i32
    scf.for %while3A_109 = %while3A_13 to %while3A_9 step %while3A_15  : i32 {
      %mul3A_110 = arith.constant 16 : i32
      %mul3A_111 = arith.muli %while3A_109, %mul3A_110 : i32
      %get3A_112 = arith.index_cast %mul3A_111 : i32 to index
      %get3A_113 = tpu.vector_load %arg7[%get3A_112] {strides = array<i32>} : memref<1024xi32, #tpu.memory_space<vmem>>, vector<16xi32>,
      tpu.vector_store_idx %arg8[%get3A_113], %broadcast_in_dim3A_1 {add = true} : memref<16xi32, #tpu.memory_space<vmem>>[vector<16xi32>], vector<16xi32>,
    }
    %get3A = arith.constant 0 : index
    %get3A_16 = tpu.vector_load %arg8[%get3A] {strides = array<i32>} : memref<16xi32, #tpu.memory_space<vmem>>, vector<16xi32>,
    %swap3A_17 = arith.constant 0 : index
    %swap3A_18 = tpu.vector_load %arg9[%swap3A_17] {strides = array<i32>} : memref<16xi32, #tpu.memory_space<vmem>>, vector<16xi32>,
    tpu.vector_store %arg9[%swap3A_17], %get3A_16 {strides = array<i32>} : memref<16xi32, #tpu.memory_space<vmem>>, vector<16xi32>,
    %while3A_19 = arith.constant 0 : i32
    %while3A_20 = arith.constant 64 : i32
    %while3A_21 = arith.subi %while3A_20, %mul3A_6 : i32
    %while3A_22 = arith.addi %mul3A_6, %while3A_21 : i32
    %while3A_23 = arith.constant 1 : i32
    %while3A_24 = arith.divsi %while3A_21, %while3A_23 : i32
    %while3A_25 = arith.muli %while3A_24, %while3A_23 : i32
    %while3A_26 = arith.addi %mul3A_6, %while3A_25 : i32
    %while3A_27 = arith.constant 1 : i32
    scf.for %while3A_109 = %mul3A_6 to %while3A_26 step %while3A_27  : i32 {
      %mul3A_110 = arith.constant 16 : i32
      %mul3A_111 = arith.muli %while3A_109, %mul3A_110 : i32
      %get3A_112 = arith.index_cast %mul3A_111 : i32 to index
      %get3A_113 = tpu.vector_load %arg7[%get3A_112] {strides = array<i32>} : memref<1024xi32, #tpu.memory_space<vmem>>, vector<16xi32>,
      tpu.vector_store_idx %arg8[%get3A_113], %broadcast_in_dim3A_1 {add = true} : memref<16xi32, #tpu.memory_space<vmem>>[vector<16xi32>], vector<16xi32>,
    }
    %while3A_28 = arith.constant 1 : i32
    scf.for %while3A_109 = %while3A_26 to %while3A_22 step %while3A_28  : i32 {
      %mul3A_110 = arith.constant 16 : i32
      %mul3A_111 = arith.muli %while3A_109, %mul3A_110 : i32
      %get3A_112 = arith.index_cast %mul3A_111 : i32 to index
      %get3A_113 = tpu.vector_load %arg7[%get3A_112] {strides = array<i32>} : memref<1024xi32, #tpu.memory_space<vmem>>, vector<16xi32>,
      tpu.vector_store_idx %arg8[%get3A_113], %broadcast_in_dim3A_1 {add = true} : memref<16xi32, #tpu.memory_space<vmem>>[vector<16xi32>], vector<16xi32>,
    }
    %get3A_29 = arith.constant 0 : index
    %get3A_30 = tpu.vector_load %arg8[%get3A_29] {strides = array<i32>} : memref<16xi32, #tpu.memory_space<vmem>>, vector<16xi32>,
    %get3A_31 = arith.constant 0 : index
    %get3A_32 = tpu.vector_load %arg9[%get3A_31] {strides = array<i32>} : memref<16xi32, #tpu.memory_space<vmem>>, vector<16xi32>,
    %add3A_33 = arith.constant 63 : i32
    %add3A_34 = vector.broadcast %add3A_33 : i32 to vector<16xi32>
    %add3A_35 = arith.addi %get3A_30, %add3A_34 : vector<16xi32>
    %jit3A = arith.constant 64 : i32
    %div3A = vector.broadcast %jit3A : i32 to vector<16xi32>
    %div3A_36 = arith.divsi %add3A_35, %div3A : vector<16xi32>
    %sign3A = arith.constant 0 : i32
    %sign3A_37 = vector.broadcast %sign3A : i32 to vector<16xi32>
    %sign3A_38 = arith.cmpi sgt, %add3A_35, %sign3A_37 : vector<16xi32>
    %sign3A_39 = arith.extui %sign3A_38 : vector<16xi1> to vector<16xi32>
    %sign3A_40 = arith.constant 0 : i32
    %sign3A_41 = vector.broadcast %sign3A_40 : i32 to vector<16xi32>
    %sign3A_42 = arith.cmpi slt, %add3A_35, %sign3A_41 : vector<16xi32>
    %sign3A_43 = arith.extui %sign3A_42 : vector<16xi1> to vector<16xi32>
    %sign3A_44 = arith.subi %sign3A_39, %sign3A_43 : vector<16xi32>
    %sign3A_45 = arith.constant 0 : i32
    %sign3A_46 = arith.cmpi sgt, %jit3A, %sign3A_45 : i32
    %sign3A_47 = arith.extui %sign3A_46 : i1 to i32
    %sign3A_48 = arith.constant 0 : i32
    %sign3A_49 = arith.cmpi slt, %jit3A, %sign3A_48 : i32
    %sign3A_50 = arith.extui %sign3A_49 : i1 to i32
    %sign3A_51 = arith.subi %sign3A_47, %sign3A_50 : i32
    %ne3A = vector.broadcast %sign3A_51 : i32 to vector<16xi32>
    %ne3A_52 = arith.cmpi ne, %sign3A_44, %ne3A : vector<16xi32>
    %rem3A = vector.broadcast %jit3A : i32 to vector<16xi32>
    %rem3A_53 = arith.remsi %add3A_35, %rem3A : vector<16xi32>
    %ne3A_54 = arith.constant 0 : i32
    %ne3A_55 = vector.broadcast %ne3A_54 : i32 to vector<16xi32>
    %ne3A_56 = arith.cmpi ne, %rem3A_53, %ne3A_55 : vector<16xi32>
    %and3A = arith.andi %ne3A_52, %ne3A_56 : vector<16xi1>
    %sub3A = arith.constant 1 : i32
    %sub3A_57 = vector.broadcast %sub3A : i32 to vector<16xi32>
    %sub3A_58 = arith.subi %div3A_36, %sub3A_57 : vector<16xi32>
    %select_n3A = arith.select %and3A, %sub3A_58, %div3A_36 : vector<16xi1>, vector<16xi32>
    %mul3A_59 = arith.constant 64 : i32
    %mul3A_60 = vector.broadcast %mul3A_59 : i32 to vector<16xi32>
    %mul3A_61 = arith.muli %select_n3A, %mul3A_60 : vector<16xi32>
    %broadcast_in_dim3A_62 = arith.constant true
    %broadcast_in_dim3A_63 = vector.broadcast %broadcast_in_dim3A_62 : i1 to vector<16xi1>
    %masked_cumsum3A = tpu.scan <sum>, %mul3A_61 masked %broadcast_in_dim3A_63 : vector<16xi32>, vector<16xi1> -> vector<16xi32>
    %sub3A_64 = arith.subi %masked_cumsum3A, %mul3A_61 : vector<16xi32>
    %add3A_65 = arith.addi %sub3A_64, %get3A_32 : vector<16xi32>
    %swap3A_66 = arith.constant 0 : index
    %swap3A_67 = tpu.vector_load %arg8[%swap3A_66] {strides = array<i32>} : memref<16xi32, #tpu.memory_space<vmem>>, vector<16xi32>,
    tpu.vector_store %arg8[%swap3A_66], %add3A_65 {strides = array<i32>} : memref<16xi32, #tpu.memory_space<vmem>>, vector<16xi32>,
    %mul3A_68 = arith.constant 32 : i32
    %mul3A_69 = arith.muli %add3A, %mul3A_68 : i32
    %iota3A = tpu.iota {dimensions = array<i32: 0>} : vector<16xi32>
    %add3A_70 = arith.constant 0 : i32
    %add3A_71 = arith.addi %mul3A_69, %add3A_70 : i32
    %get3A_72 = arith.index_cast %add3A_71 : i32 to index
    %get3A_73 = tpu.vector_load %arg7[%get3A_72] {strides = array<i32>} : memref<1024xi32, #tpu.memory_space<vmem>>, vector<16xi32>,
    %swap3A_74 = arith.constant 0 : index
    %swap3A_75 = tpu.vector_load %arg10[%swap3A_74] {strides = array<i32>} : memref<16xi32, #tpu.memory_space<vmem>>, vector<16xi32>,
    tpu.vector_store %arg10[%swap3A_74], %get3A_73 {strides = array<i32>} : memref<16xi32, #tpu.memory_space<vmem>>, vector<16xi32>,
    %gather3A = tpu.vector_load_idx %arg8[%get3A_73] : memref<16xi32, #tpu.memory_space<vmem>>[vector<16xi32>], vector<16xi32>,
    %scan3A = arith.constant 0 : i32
    %scan3A_76 = arith.constant 15 : i32
    %scan3A_77 = arith.addi %scan3A, %scan3A_76 : i32
    %scan3A_78 = arith.constant 1 : i32
    %scan3A_79 = scf.for %scan3A_109 = %scan3A to %scan3A_77 step %scan3A_78 iter_args(%scan3A_110 = %broadcast_in_dim3A_3) -> (vector<16xi32>)  : i32 {
      %broadcast_in_dim3A_111 = vector.broadcast %scan3A_109 : i32 to vector<16xi32>
      %gather3A_112 = tpu.vector_load_idx %arg10[%broadcast_in_dim3A_111] : memref<16xi32, #tpu.memory_space<vmem>>[vector<16xi32>], vector<16xi32>,
      %eq3A_113 = arith.cmpi eq, %get3A_73, %gather3A_112 : vector<16xi32>
      %gt3A = vector.broadcast %scan3A_109 : i32 to vector<16xi32>
      %gt3A_114 = arith.cmpi sgt, %iota3A, %gt3A : vector<16xi32>
      %and3A_115 = arith.andi %eq3A_113, %gt3A_114 : vector<16xi1>
      %jit3A_116 = arith.constant 1 : i32
      %jit3A_117 = arith.constant 0 : i32
      %broadcast_in_dim3A_118 = vector.broadcast %jit3A_116 : i32 to vector<16xi32>
      %broadcast_in_dim3A_119 = vector.broadcast %jit3A_117 : i32 to vector<16xi32>
      %select_n3A_120 = arith.select %and3A_115, %broadcast_in_dim3A_118, %broadcast_in_dim3A_119 : vector<16xi1>, vector<16xi32>
      %add3A_121 = arith.addi %scan3A_110, %select_n3A_120 : vector<16xi32>
      scf.yield %add3A_121 : vector<16xi32>
    }
    %scan3A_80 = arith.constant 15 : i32
    %add3A_81 = arith.addi %gather3A, %scan3A_79 : vector<16xi32>
    %swap3A_82 = arith.constant 0 : index
    %swap3A_83 = tpu.vector_load %arg11[%swap3A_82] {strides = array<i32>} : memref<32xi32, #tpu.memory_space<vmem>>, vector<16xi32>,
    tpu.vector_store %arg11[%swap3A_82], %add3A_81 {strides = array<i32>} : memref<32xi32, #tpu.memory_space<vmem>>, vector<16xi32>,
    tpu.vector_store_idx %arg8[%get3A_73], %broadcast_in_dim3A_1 {add = true} : memref<16xi32, #tpu.memory_space<vmem>>[vector<16xi32>], vector<16xi32>,
    %add3A_84 = arith.constant 16 : i32
    %add3A_85 = arith.addi %mul3A_69, %add3A_84 : i32
    %get3A_86 = arith.index_cast %add3A_85 : i32 to index
    %get3A_87 = tpu.vector_load %arg7[%get3A_86] {strides = array<i32>} : memref<1024xi32, #tpu.memory_space<vmem>>, vector<16xi32>,
    %swap3A_88 = arith.constant 0 : index
    %swap3A_89 = tpu.vector_load %arg10[%swap3A_88] {strides = array<i32>} : memref<16xi32, #tpu.memory_space<vmem>>, vector<16xi32>,
    tpu.vector_store %arg10[%swap3A_88], %get3A_87 {strides = array<i32>} : memref<16xi32, #tpu.memory_space<vmem>>, vector<16xi32>,
    %gather3A_90 = tpu.vector_load_idx %arg8[%get3A_87] : memref<16xi32, #tpu.memory_space<vmem>>[vector<16xi32>], vector<16xi32>,
    %scan3A_91 = arith.constant 0 : i32
    %scan3A_92 = arith.constant 15 : i32
    %scan3A_93 = arith.addi %scan3A_91, %scan3A_92 : i32
    %scan3A_94 = arith.constant 1 : i32
    %scan3A_95 = scf.for %scan3A_109 = %scan3A_91 to %scan3A_93 step %scan3A_94 iter_args(%scan3A_110 = %broadcast_in_dim3A_3) -> (vector<16xi32>)  : i32 {
      %broadcast_in_dim3A_111 = vector.broadcast %scan3A_109 : i32 to vector<16xi32>
      %gather3A_112 = tpu.vector_load_idx %arg10[%broadcast_in_dim3A_111] : memref<16xi32, #tpu.memory_space<vmem>>[vector<16xi32>], vector<16xi32>,
      %eq3A_113 = arith.cmpi eq, %get3A_87, %gather3A_112 : vector<16xi32>
      %gt3A = vector.broadcast %scan3A_109 : i32 to vector<16xi32>
      %gt3A_114 = arith.cmpi sgt, %iota3A, %gt3A : vector<16xi32>
      %and3A_115 = arith.andi %eq3A_113, %gt3A_114 : vector<16xi1>
      %jit3A_116 = arith.constant 1 : i32
      %jit3A_117 = arith.constant 0 : i32
      %broadcast_in_dim3A_118 = vector.broadcast %jit3A_116 : i32 to vector<16xi32>
      %broadcast_in_dim3A_119 = vector.broadcast %jit3A_117 : i32 to vector<16xi32>
      %select_n3A_120 = arith.select %and3A_115, %broadcast_in_dim3A_118, %broadcast_in_dim3A_119 : vector<16xi1>, vector<16xi32>
      %add3A_121 = arith.addi %scan3A_110, %select_n3A_120 : vector<16xi32>
      scf.yield %add3A_121 : vector<16xi32>
    }
    %scan3A_96 = arith.constant 15 : i32
    %add3A_97 = arith.addi %gather3A_90, %scan3A_95 : vector<16xi32>
    %swap3A_98 = arith.constant 16 : index
    %swap3A_99 = tpu.vector_load %arg11[%swap3A_98] {strides = array<i32>} : memref<32xi32, #tpu.memory_space<vmem>>, vector<16xi32>,
    tpu.vector_store %arg11[%swap3A_98], %add3A_97 {strides = array<i32>} : memref<32xi32, #tpu.memory_space<vmem>>, vector<16xi32>,
    tpu.vector_store_idx %arg8[%get3A_87], %broadcast_in_dim3A_1 {add = true} : memref<16xi32, #tpu.memory_space<vmem>>[vector<16xi32>], vector<16xi32>,
    "tpu.region"() ({
      %run_scoped3A = tpu.sem_alloc : memref<!tpu.dma_semaphore, #tpu.memory_space<semaphore_mem>>
      %dma_start3A_109 = arith.constant 0 : i32
      %dma_start3A_110 = tpu.memref_slice %arg2[%mul3A_69, %dma_start3A_109] : memref<1024x384xf32, #tpu.memory_space<hbm>> -> memref<32x384xf32, #tpu.memory_space<hbm>>
      %dma_start3A_111 = arith.constant 0 : i32
      %dma_start3A_112 = tpu.memref_slice %arg2[%mul3A_69, %dma_start3A_111] : memref<1024x384xf32, #tpu.memory_space<hbm>> -> memref<32x384xf32, #tpu.memory_space<hbm>>
      tpu.enqueue_dma source(%dma_start3A_112 : memref<32x384xf32, #tpu.memory_space<hbm>>) target(%arg12 : memref<32x384xf32, #tpu.memory_space<vmem>>) target_semaphore(%run_scoped3A : memref<!tpu.dma_semaphore, #tpu.memory_space<semaphore_mem>>)
      %dma_wait3A_113 = arith.constant 0 : i32
      %dma_wait3A_114 = tpu.memref_slice %arg2[%mul3A_69, %dma_wait3A_113] : memref<1024x384xf32, #tpu.memory_space<hbm>> -> memref<32x384xf32, #tpu.memory_space<hbm>>
      %dma_wait3A_115 = arith.constant 0 : i32
      %dma_wait3A_116 = tpu.memref_slice %arg2[%mul3A_69, %dma_wait3A_115] : memref<1024x384xf32, #tpu.memory_space<hbm>> -> memref<32x384xf32, #tpu.memory_space<hbm>>
      tpu.wait_dma2 semaphore(%run_scoped3A : memref<!tpu.dma_semaphore, #tpu.memory_space<semaphore_mem>>) src(%dma_wait3A_116 : memref<32x384xf32, #tpu.memory_space<hbm>>) dst(%arg12 : memref<32x384xf32, #tpu.memory_space<vmem>>)
      tpu.yield
    }) : () -> ()
    %dma_start3A = arith.constant 0 : i32
    %dma_start3A_100 = arith.constant 0 : i32
    %dma_start3A_101 = tpu.memref_slice %arg4[%dma_start3A, %dma_start3A_100] : memref<2048x384xf32, #tpu.memory_space<hbm>> -> memref<2048x384xf32, #tpu.memory_space<hbm>>
    tpu.enqueue_indirect_dma source(%arg12 : memref<32x384xf32, #tpu.memory_space<vmem>>) target(%dma_start3A_101 : memref<2048x384xf32, #tpu.memory_space<hbm>>) offsets(%arg11 : memref<32xi32, #tpu.memory_space<vmem>>) semaphore(%arg14 : memref<!tpu.dma_semaphore, #tpu.memory_space<semaphore_mem>>)
    %dma_wait3A = arith.constant 0 : i32
    %dma_wait3A_102 = arith.constant 0 : i32
    %dma_wait3A_103 = tpu.memref_slice %arg4[%dma_wait3A, %dma_wait3A_102] : memref<2048x384xf32, #tpu.memory_space<hbm>> -> memref<2048x384xf32, #tpu.memory_space<hbm>>
    tpu.wait_indirect_dma semaphore(%arg14 : memref<!tpu.dma_semaphore, #tpu.memory_space<semaphore_mem>>) src(%arg12 : memref<32x384xf32, #tpu.memory_space<vmem>>) dst(%dma_wait3A_103 : memref<2048x384xf32, #tpu.memory_space<hbm>>)
    "tpu.region"() ({
      %run_scoped3A = tpu.sem_alloc : memref<!tpu.dma_semaphore, #tpu.memory_space<semaphore_mem>>
      %dma_start3A_109 = tpu.memref_slice %arg5[%mul3A_69] : memref<1024xi32, #tpu.memory_space<hbm>> -> memref<32xi32, #tpu.memory_space<hbm>>
      %dma_start3A_110 = tpu.memref_slice %arg5[%mul3A_69] : memref<1024xi32, #tpu.memory_space<hbm>> -> memref<32xi32, #tpu.memory_space<hbm>>
      tpu.enqueue_dma source(%arg11 : memref<32xi32, #tpu.memory_space<vmem>>) target(%dma_start3A_110 : memref<32xi32, #tpu.memory_space<hbm>>) target_semaphore(%run_scoped3A : memref<!tpu.dma_semaphore, #tpu.memory_space<semaphore_mem>>)
      %dma_wait3A_111 = tpu.memref_slice %arg5[%mul3A_69] : memref<1024xi32, #tpu.memory_space<hbm>> -> memref<32xi32, #tpu.memory_space<hbm>>
      %dma_wait3A_112 = tpu.memref_slice %arg5[%mul3A_69] : memref<1024xi32, #tpu.memory_space<hbm>> -> memref<32xi32, #tpu.memory_space<hbm>>
      tpu.wait_dma2 semaphore(%run_scoped3A : memref<!tpu.dma_semaphore, #tpu.memory_space<semaphore_mem>>) src(%arg11 : memref<32xi32, #tpu.memory_space<vmem>>) dst(%dma_wait3A_112 : memref<32xi32, #tpu.memory_space<hbm>>)
      tpu.yield
    }) : () -> ()
    %eq3A = arith.constant 0 : i32
    %eq3A_104 = arith.cmpi eq, %arg0, %eq3A : i32
    %eq3A_105 = arith.constant 0 : i32
    %eq3A_106 = arith.cmpi eq, %arg1, %eq3A_105 : i32
    %and3A_107 = arith.andi %eq3A_104, %eq3A_106 : i1
    %convert_element_type3A = arith.extui %and3A_107 : i1 to i32
    %cond3A = arith.constant 0 : i32
    %cond3A_108 = arith.cmpi ne, %convert_element_type3A, %cond3A : i32
    scf.if %cond3A_108 {
      %swap3A_109 = arith.constant 0 : index
      %swap3A_110 = tpu.vector_load %arg9[%swap3A_109] {strides = array<i32>} : memref<16xi32, #tpu.memory_space<vmem>>, vector<16xi32>,
      tpu.vector_store %arg9[%swap3A_109], %masked_cumsum3A {strides = array<i32>} : memref<16xi32, #tpu.memory_space<vmem>>, vector<16xi32>,
      %iota3A_111 = tpu.iota {dimensions = array<i32: 0>} : vector<16xi32>
      %mul3A_112 = arith.constant 64 : i32
      %mul3A_113 = vector.broadcast %mul3A_112 : i32 to vector<16xi32>
      %mul3A_114 = arith.muli %iota3A_111, %mul3A_113 : vector<16xi32>
      %iota3A_115 = tpu.iota {dimensions = array<i32: 0>} : vector<16xi32>
      %add3A_116 = arith.constant 16 : i32
      %add3A_117 = vector.broadcast %add3A_116 : i32 to vector<16xi32>
      %add3A_118 = arith.addi %iota3A_115, %add3A_117 : vector<16xi32>
      %mul3A_119 = arith.constant 64 : i32
      %mul3A_120 = vector.broadcast %mul3A_119 : i32 to vector<16xi32>
      %mul3A_121 = arith.muli %add3A_118, %mul3A_120 : vector<16xi32>
      %broadcast_in_dim3A_122 = arith.constant 0 : i32
      %broadcast_in_dim3A_123 = vector.broadcast %broadcast_in_dim3A_122 : i32 to vector<16xi32>
      %scan3A_124 = arith.constant 0 : i32
      %scan3A_125 = arith.constant 16 : i32
      %scan3A_126 = arith.addi %scan3A_124, %scan3A_125 : i32
      %scan3A_127 = arith.constant 1 : i32
      %scan3A_128:2 = scf.for %scan3A_139 = %scan3A_124 to %scan3A_126 step %scan3A_127 iter_args(%scan3A_140 = %broadcast_in_dim3A_123, %scan3A_141 = %broadcast_in_dim3A_123) -> (vector<16xi32>, vector<16xi32>)  : i32 {
        %broadcast_in_dim3A_142 = vector.broadcast %scan3A_139 : i32 to vector<16xi32>
        %gather3A_143 = tpu.vector_load_idx %arg9[%broadcast_in_dim3A_142] : memref<16xi32, #tpu.memory_space<vmem>>[vector<16xi32>], vector<16xi32>,
        %le3A = arith.cmpi sle, %gather3A_143, %mul3A_114 : vector<16xi32>
        %jit3A_144 = arith.constant 1 : i32
        %jit3A_145 = arith.constant 0 : i32
        %broadcast_in_dim3A_146 = vector.broadcast %jit3A_144 : i32 to vector<16xi32>
        %broadcast_in_dim3A_147 = vector.broadcast %jit3A_145 : i32 to vector<16xi32>
        %select_n3A_148 = arith.select %le3A, %broadcast_in_dim3A_146, %broadcast_in_dim3A_147 : vector<16xi1>, vector<16xi32>
        %add3A_149 = arith.addi %scan3A_140, %select_n3A_148 : vector<16xi32>
        %le3A_150 = arith.cmpi sle, %gather3A_143, %mul3A_121 : vector<16xi32>
        %jit3A_151 = arith.constant 1 : i32
        %jit3A_152 = arith.constant 0 : i32
        %broadcast_in_dim3A_153 = vector.broadcast %jit3A_151 : i32 to vector<16xi32>
        %broadcast_in_dim3A_154 = vector.broadcast %jit3A_152 : i32 to vector<16xi32>
        %select_n3A_155 = arith.select %le3A_150, %broadcast_in_dim3A_153, %broadcast_in_dim3A_154 : vector<16xi1>, vector<16xi32>
        %add3A_156 = arith.addi %scan3A_141, %select_n3A_155 : vector<16xi32>
        scf.yield %add3A_149, %add3A_156 : vector<16xi32>, vector<16xi32>
      }
      %scan3A_129 = arith.constant 16 : i32
      %min3A = arith.constant 15 : i32
      %min3A_130 = vector.broadcast %min3A : i32 to vector<16xi32>
      %min3A_131 = arith.minsi %scan3A_128#0, %min3A_130 : vector<16xi32>
      %swap3A_132 = arith.constant 0 : index
      %swap3A_133 = tpu.vector_load %arg13[%swap3A_132] {strides = array<i32>} : memref<32xi32, #tpu.memory_space<vmem>>, vector<16xi32>,
      tpu.vector_store %arg13[%swap3A_132], %min3A_131 {strides = array<i32>} : memref<32xi32, #tpu.memory_space<vmem>>, vector<16xi32>,
      %min3A_134 = arith.constant 15 : i32
      %min3A_135 = vector.broadcast %min3A_134 : i32 to vector<16xi32>
      %min3A_136 = arith.minsi %scan3A_128#1, %min3A_135 : vector<16xi32>
      %swap3A_137 = arith.constant 16 : index
      %swap3A_138 = tpu.vector_load %arg13[%swap3A_137] {strides = array<i32>} : memref<32xi32, #tpu.memory_space<vmem>>, vector<16xi32>,
      tpu.vector_store %arg13[%swap3A_137], %min3A_136 {strides = array<i32>} : memref<32xi32, #tpu.memory_space<vmem>>, vector<16xi32>,
      "tpu.region"() ({
        %run_scoped3A = tpu.sem_alloc : memref<!tpu.dma_semaphore, #tpu.memory_space<semaphore_mem>>
        tpu.enqueue_dma source(%arg13 : memref<32xi32, #tpu.memory_space<vmem>>) target(%arg6 : memref<32xi32, #tpu.memory_space<hbm>>) target_semaphore(%run_scoped3A : memref<!tpu.dma_semaphore, #tpu.memory_space<semaphore_mem>>)
        tpu.wait_dma2 semaphore(%run_scoped3A : memref<!tpu.dma_semaphore, #tpu.memory_space<semaphore_mem>>) src(%arg13 : memref<32xi32, #tpu.memory_space<vmem>>) dst(%arg6 : memref<32xi32, #tpu.memory_space<hbm>>)
        tpu.yield
      }) : () -> ()
    } else {
    }
    return
  }
}

module attributes {stable_mosaic.version = 14 : i64} {
  func.func @_mlp_body(%arg0: i32, %arg1: memref<32xi32, #tpu.memory_space<smem>>, %arg2: memref<64x384xf32, #tpu.memory_space<vmem>>, %arg3: memref<1024x1xi32, #tpu.memory_space<vmem>>, %arg4: memref<1x320x256xf32, #tpu.memory_space<vmem>>, %arg5: memref<1x1x256xf32, #tpu.memory_space<vmem>>, %arg6: memref<1x256x256xf32, #tpu.memory_space<vmem>>, %arg7: memref<1x1x256xf32, #tpu.memory_space<vmem>>, %arg8: memref<1x1x256xf32, #tpu.memory_space<vmem>>, %arg9: memref<1x1x1xf32, #tpu.memory_space<vmem>>, %arg10: memref<1024x1xf32, #tpu.memory_space<vmem>>, %arg11: memref<2048x1xf32, #tpu.memory_space<vmem>>) attributes {dimension_semantics = [#tpu.dimension_semantics<arbitrary>], iteration_bounds = array<i64: 33>, scalar_prefetch = 1 : i64, scratch_operands = 1 : i64, tpu.core_type = #tpu.core_type<tc>, window_params = [{transform_indices = @transform_0, window_bounds = array<i64: 64, 384>}, {pipeline_mode = #tpu.pipeline_mode<synchronous>, transform_indices = @transform_1, window_bounds = array<i64: 1024, 1>}, {transform_indices = @transform_2, window_bounds = array<i64: 1, 320, 256>}, {transform_indices = @transform_3, window_bounds = array<i64: 1, 1, 256>}, {transform_indices = @transform_4, window_bounds = array<i64: 1, 256, 256>}, {transform_indices = @transform_5, window_bounds = array<i64: 1, 1, 256>}, {transform_indices = @transform_6, window_bounds = array<i64: 1, 1, 256>}, {transform_indices = @transform_7, window_bounds = array<i64: 1, 1, 1>}, {pipeline_mode = #tpu.pipeline_mode<synchronous>, transform_indices = @transform_8, window_bounds = array<i64: 1024, 1>}]} {
    %lt3A = arith.constant 32 : i32
    %lt3A_0 = arith.cmpi slt, %arg0, %lt3A : i32
    %convert_element_type3A = arith.extui %lt3A_0 : i1 to i32
    %cond3A = arith.constant 0 : i32
    %cond3A_1 = arith.cmpi ne, %convert_element_type3A, %cond3A : i32
    scf.if %cond3A_1 {
      %get3A = arith.constant 0 : index
      %get3A_6 = arith.constant 0 : index
      %get3A_7 = vector.load %arg2[%get3A, %get3A_6] : memref<64x384xf32, #tpu.memory_space<vmem>>, vector<64x384xf32>
      %slice3A = vector.extract_strided_slice %get3A_7 {offsets = [0, 0], sizes = [64, 320], strides = [1, 1]} : vector<64x384xf32> to vector<64x320xf32>
      %get3A_8 = arith.constant 0 : index
      %get3A_9 = arith.constant 0 : index
      %get3A_10 = arith.constant 0 : index
      %get3A_11 = vector.load %arg4[%get3A_8, %get3A_9, %get3A_10] : memref<1x320x256xf32, #tpu.memory_space<vmem>>, vector<1x320x256xf32>
      %get3A_12 = vector.shape_cast %get3A_11 : vector<1x320x256xf32> to vector<320x256xf32>
      %dot_general3A = arith.constant dense<0.000000e+00> : vector<64x256xf32>
      %dot_general3A_13 = tpu.matmul %slice3A, %get3A_12, %dot_general3A {dimension_numbers = #tpu.dot_dimension_numbers<[1], [0], [0], [1], [0, 0, 1, 1], [], []>, transpose_lhs_hint = false} : vector<64x320xf32>, vector<320x256xf32>, vector<64x256xf32> -> vector<64x256xf32>
      %get3A_14 = arith.constant 0 : index
      %get3A_15 = arith.constant 0 : index
      %get3A_16 = arith.constant 0 : index
      %get3A_17 = vector.load %arg5[%get3A_14, %get3A_15, %get3A_16] : memref<1x1x256xf32, #tpu.memory_space<vmem>>, vector<1x1x256xf32>
      %get3A_18 = vector.shape_cast %get3A_17 : vector<1x1x256xf32> to vector<1x256xf32>
      %add3A = vector.broadcast %get3A_18 : vector<1x256xf32> to vector<64x256xf32>
      %add3A_19 = arith.addf %dot_general3A_13, %add3A : vector<64x256xf32>
      %max3A = arith.constant 0.000000e+00 : f32
      %max3A_20 = vector.broadcast %max3A : f32 to vector<64x256xf32>
      %max3A_21 = arith.maximumf %add3A_19, %max3A_20 : vector<64x256xf32>
      %get3A_22 = arith.constant 0 : index
      %get3A_23 = arith.constant 0 : index
      %get3A_24 = arith.constant 0 : index
      %get3A_25 = vector.load %arg6[%get3A_22, %get3A_23, %get3A_24] : memref<1x256x256xf32, #tpu.memory_space<vmem>>, vector<1x256x256xf32>
      %get3A_26 = vector.shape_cast %get3A_25 : vector<1x256x256xf32> to vector<256x256xf32>
      %dot_general3A_27 = arith.constant dense<0.000000e+00> : vector<64x256xf32>
      %dot_general3A_28 = tpu.matmul %max3A_21, %get3A_26, %dot_general3A_27 {dimension_numbers = #tpu.dot_dimension_numbers<[1], [0], [0], [1], [0, 0, 1, 1], [], []>, transpose_lhs_hint = false} : vector<64x256xf32>, vector<256x256xf32>, vector<64x256xf32> -> vector<64x256xf32>
      %get3A_29 = arith.constant 0 : index
      %get3A_30 = arith.constant 0 : index
      %get3A_31 = arith.constant 0 : index
      %get3A_32 = vector.load %arg7[%get3A_29, %get3A_30, %get3A_31] : memref<1x1x256xf32, #tpu.memory_space<vmem>>, vector<1x1x256xf32>
      %get3A_33 = vector.shape_cast %get3A_32 : vector<1x1x256xf32> to vector<1x256xf32>
      %add3A_34 = vector.broadcast %get3A_33 : vector<1x256xf32> to vector<64x256xf32>
      %add3A_35 = arith.addf %dot_general3A_28, %add3A_34 : vector<64x256xf32>
      %max3A_36 = arith.constant 0.000000e+00 : f32
      %max3A_37 = vector.broadcast %max3A_36 : f32 to vector<64x256xf32>
      %max3A_38 = arith.maximumf %add3A_35, %max3A_37 : vector<64x256xf32>
      %get3A_39 = arith.constant 0 : index
      %get3A_40 = arith.constant 0 : index
      %get3A_41 = arith.constant 0 : index
      %get3A_42 = vector.load %arg8[%get3A_39, %get3A_40, %get3A_41] : memref<1x1x256xf32, #tpu.memory_space<vmem>>, vector<1x1x256xf32>
      %get3A_43 = vector.shape_cast %get3A_42 : vector<1x1x256xf32> to vector<1x256xf32>
      %mul3A = vector.broadcast %get3A_43 : vector<1x256xf32> to vector<64x256xf32>
      %mul3A_44 = arith.mulf %max3A_38, %mul3A : vector<64x256xf32>
      %reduce_sum3A = arith.constant dense<0.000000e+00> : vector<64xf32>
      %reduce_sum3A_45 = vector.multi_reduction <add>, %mul3A_44, %reduce_sum3A [1] : vector<64x256xf32> to vector<64xf32>
      %broadcast_in_dim3A = vector.shape_cast %reduce_sum3A_45 : vector<64xf32> to vector<64x1xf32>
      %get3A_46 = arith.constant 0 : index
      %get3A_47 = arith.constant 0 : index
      %get3A_48 = arith.constant 0 : index
      %get3A_49 = vector.load %arg9[%get3A_46, %get3A_47, %get3A_48] : memref<1x1x1xf32, #tpu.memory_space<vmem>>, vector<1x1x1xf32>
      %get3A_50 = vector.shape_cast %get3A_49 : vector<1x1x1xf32> to vector<1x1xf32>
      %add3A_51 = vector.broadcast %get3A_50 : vector<1x1xf32> to vector<64x1xf32>
      %add3A_52 = arith.addf %broadcast_in_dim3A, %add3A_51 : vector<64x1xf32>
      %logistic3A = arith.negf %add3A_52 : vector<64x1xf32>
      %logistic3A_53 = math.exp %logistic3A : vector<64x1xf32>
      %logistic3A_54 = arith.constant 1.000000e+00 : f32
      %logistic3A_55 = vector.broadcast %logistic3A_54 : f32 to vector<64x1xf32>
      %logistic3A_56 = arith.addf %logistic3A_55, %logistic3A_53 : vector<64x1xf32>
      %logistic3A_57 = arith.divf %logistic3A_55, %logistic3A_56 : vector<64x1xf32>
      %mul3A_58 = arith.constant 64 : i32
      %mul3A_59 = arith.muli %arg0, %mul3A_58 : i32
      %swap3A = arith.index_cast %mul3A_59 : i32 to index
      %swap3A_60 = arith.constant 0 : index
      %swap3A_61 = vector.load %arg11[%swap3A, %swap3A_60] : memref<2048x1xf32, #tpu.memory_space<vmem>>, vector<64x1xf32>
      tpu.vector_store %arg11[%swap3A, %swap3A_60], %logistic3A_57 {strides = array<i32>} : memref<2048x1xf32, #tpu.memory_space<vmem>>, vector<64x1xf32>,
    } else {
    }
    %eq3A = arith.constant 32 : i32
    %eq3A_2 = arith.cmpi eq, %arg0, %eq3A : i32
    %convert_element_type3A_3 = arith.extui %eq3A_2 : i1 to i32
    %cond3A_4 = arith.constant 0 : i32
    %cond3A_5 = arith.cmpi ne, %convert_element_type3A_3, %cond3A_4 : i32
    scf.if %cond3A_5 {
      %get3A = arith.constant 0 : index
      %get3A_6 = arith.constant 0 : index
      %get3A_7 = vector.load %arg3[%get3A, %get3A_6] : memref<1024x1xi32, #tpu.memory_space<vmem>>, vector<1024x1xi32>
      %broadcast_in_dim3A = arith.constant 0.000000e+00 : f32
      %broadcast_in_dim3A_8 = vector.broadcast %broadcast_in_dim3A : f32 to vector<1024x1xf32>
      %iota3A = tpu.iota {dimensions = array<i32: 1>} : vector<1024x128xi32>
      %add3A = arith.constant 0 : i32
      %add3A_9 = vector.broadcast %add3A : i32 to vector<1024x128xi32>
      %add3A_10 = arith.addi %add3A_9, %iota3A : vector<1024x128xi32>
      %eq3A_11 = vector.broadcast %get3A_7 : vector<1024x1xi32> to vector<1024x128xi32>
      %eq3A_12 = arith.cmpi eq, %eq3A_11, %add3A_10 : vector<1024x128xi32>
      %convert_element_type3A_13 = arith.extui %eq3A_12 : vector<1024x128xi1> to vector<1024x128xi32>
      %convert_element_type3A_14 = arith.sitofp %convert_element_type3A_13 : vector<1024x128xi32> to vector<1024x128xf32>
      %get3A_15 = arith.constant 0 : index
      %get3A_16 = arith.constant 0 : index
      %get3A_17 = vector.load %arg11[%get3A_15, %get3A_16] : memref<2048x1xf32, #tpu.memory_space<vmem>>, vector<128x1xf32>
      %dot_general3A = arith.constant dense<0.000000e+00> : vector<1024x1xf32>
      %dot_general3A_18 = tpu.matmul %convert_element_type3A_14, %get3A_17, %dot_general3A {dimension_numbers = #tpu.dot_dimension_numbers<[1], [0], [0], [1], [0, 0, 1, 1], [], []>, precision = #tpu.contract_precision<fp32>, transpose_lhs_hint = false} : vector<1024x128xf32>, vector<128x1xf32>, vector<1024x1xf32> -> vector<1024x1xf32>
      %add3A_19 = arith.addf %broadcast_in_dim3A_8, %dot_general3A_18 : vector<1024x1xf32>
      %iota3A_20 = tpu.iota {dimensions = array<i32: 1>} : vector<1024x128xi32>
      %add3A_21 = arith.constant 128 : i32
      %add3A_22 = vector.broadcast %add3A_21 : i32 to vector<1024x128xi32>
      %add3A_23 = arith.addi %add3A_22, %iota3A_20 : vector<1024x128xi32>
      %eq3A_24 = vector.broadcast %get3A_7 : vector<1024x1xi32> to vector<1024x128xi32>
      %eq3A_25 = arith.cmpi eq, %eq3A_24, %add3A_23 : vector<1024x128xi32>
      %convert_element_type3A_26 = arith.extui %eq3A_25 : vector<1024x128xi1> to vector<1024x128xi32>
      %convert_element_type3A_27 = arith.sitofp %convert_element_type3A_26 : vector<1024x128xi32> to vector<1024x128xf32>
      %get3A_28 = arith.constant 128 : index
      %get3A_29 = arith.constant 0 : index
      %get3A_30 = vector.load %arg11[%get3A_28, %get3A_29] : memref<2048x1xf32, #tpu.memory_space<vmem>>, vector<128x1xf32>
      %dot_general3A_31 = arith.constant dense<0.000000e+00> : vector<1024x1xf32>
      %dot_general3A_32 = tpu.matmul %convert_element_type3A_27, %get3A_30, %dot_general3A_31 {dimension_numbers = #tpu.dot_dimension_numbers<[1], [0], [0], [1], [0, 0, 1, 1], [], []>, precision = #tpu.contract_precision<fp32>, transpose_lhs_hint = false} : vector<1024x128xf32>, vector<128x1xf32>, vector<1024x1xf32> -> vector<1024x1xf32>
      %add3A_33 = arith.addf %add3A_19, %dot_general3A_32 : vector<1024x1xf32>
      %iota3A_34 = tpu.iota {dimensions = array<i32: 1>} : vector<1024x128xi32>
      %add3A_35 = arith.constant 256 : i32
      %add3A_36 = vector.broadcast %add3A_35 : i32 to vector<1024x128xi32>
      %add3A_37 = arith.addi %add3A_36, %iota3A_34 : vector<1024x128xi32>
      %eq3A_38 = vector.broadcast %get3A_7 : vector<1024x1xi32> to vector<1024x128xi32>
      %eq3A_39 = arith.cmpi eq, %eq3A_38, %add3A_37 : vector<1024x128xi32>
      %convert_element_type3A_40 = arith.extui %eq3A_39 : vector<1024x128xi1> to vector<1024x128xi32>
      %convert_element_type3A_41 = arith.sitofp %convert_element_type3A_40 : vector<1024x128xi32> to vector<1024x128xf32>
      %get3A_42 = arith.constant 256 : index
      %get3A_43 = arith.constant 0 : index
      %get3A_44 = vector.load %arg11[%get3A_42, %get3A_43] : memref<2048x1xf32, #tpu.memory_space<vmem>>, vector<128x1xf32>
      %dot_general3A_45 = arith.constant dense<0.000000e+00> : vector<1024x1xf32>
      %dot_general3A_46 = tpu.matmul %convert_element_type3A_41, %get3A_44, %dot_general3A_45 {dimension_numbers = #tpu.dot_dimension_numbers<[1], [0], [0], [1], [0, 0, 1, 1], [], []>, precision = #tpu.contract_precision<fp32>, transpose_lhs_hint = false} : vector<1024x128xf32>, vector<128x1xf32>, vector<1024x1xf32> -> vector<1024x1xf32>
      %add3A_47 = arith.addf %add3A_33, %dot_general3A_46 : vector<1024x1xf32>
      %iota3A_48 = tpu.iota {dimensions = array<i32: 1>} : vector<1024x128xi32>
      %add3A_49 = arith.constant 384 : i32
      %add3A_50 = vector.broadcast %add3A_49 : i32 to vector<1024x128xi32>
      %add3A_51 = arith.addi %add3A_50, %iota3A_48 : vector<1024x128xi32>
      %eq3A_52 = vector.broadcast %get3A_7 : vector<1024x1xi32> to vector<1024x128xi32>
      %eq3A_53 = arith.cmpi eq, %eq3A_52, %add3A_51 : vector<1024x128xi32>
      %convert_element_type3A_54 = arith.extui %eq3A_53 : vector<1024x128xi1> to vector<1024x128xi32>
      %convert_element_type3A_55 = arith.sitofp %convert_element_type3A_54 : vector<1024x128xi32> to vector<1024x128xf32>
      %get3A_56 = arith.constant 384 : index
      %get3A_57 = arith.constant 0 : index
      %get3A_58 = vector.load %arg11[%get3A_56, %get3A_57] : memref<2048x1xf32, #tpu.memory_space<vmem>>, vector<128x1xf32>
      %dot_general3A_59 = arith.constant dense<0.000000e+00> : vector<1024x1xf32>
      %dot_general3A_60 = tpu.matmul %convert_element_type3A_55, %get3A_58, %dot_general3A_59 {dimension_numbers = #tpu.dot_dimension_numbers<[1], [0], [0], [1], [0, 0, 1, 1], [], []>, precision = #tpu.contract_precision<fp32>, transpose_lhs_hint = false} : vector<1024x128xf32>, vector<128x1xf32>, vector<1024x1xf32> -> vector<1024x1xf32>
      %add3A_61 = arith.addf %add3A_47, %dot_general3A_60 : vector<1024x1xf32>
      %iota3A_62 = tpu.iota {dimensions = array<i32: 1>} : vector<1024x128xi32>
      %add3A_63 = arith.constant 512 : i32
      %add3A_64 = vector.broadcast %add3A_63 : i32 to vector<1024x128xi32>
      %add3A_65 = arith.addi %add3A_64, %iota3A_62 : vector<1024x128xi32>
      %eq3A_66 = vector.broadcast %get3A_7 : vector<1024x1xi32> to vector<1024x128xi32>
      %eq3A_67 = arith.cmpi eq, %eq3A_66, %add3A_65 : vector<1024x128xi32>
      %convert_element_type3A_68 = arith.extui %eq3A_67 : vector<1024x128xi1> to vector<1024x128xi32>
      %convert_element_type3A_69 = arith.sitofp %convert_element_type3A_68 : vector<1024x128xi32> to vector<1024x128xf32>
      %get3A_70 = arith.constant 512 : index
      %get3A_71 = arith.constant 0 : index
      %get3A_72 = vector.load %arg11[%get3A_70, %get3A_71] : memref<2048x1xf32, #tpu.memory_space<vmem>>, vector<128x1xf32>
      %dot_general3A_73 = arith.constant dense<0.000000e+00> : vector<1024x1xf32>
      %dot_general3A_74 = tpu.matmul %convert_element_type3A_69, %get3A_72, %dot_general3A_73 {dimension_numbers = #tpu.dot_dimension_numbers<[1], [0], [0], [1], [0, 0, 1, 1], [], []>, precision = #tpu.contract_precision<fp32>, transpose_lhs_hint = false} : vector<1024x128xf32>, vector<128x1xf32>, vector<1024x1xf32> -> vector<1024x1xf32>
      %add3A_75 = arith.addf %add3A_61, %dot_general3A_74 : vector<1024x1xf32>
      %iota3A_76 = tpu.iota {dimensions = array<i32: 1>} : vector<1024x128xi32>
      %add3A_77 = arith.constant 640 : i32
      %add3A_78 = vector.broadcast %add3A_77 : i32 to vector<1024x128xi32>
      %add3A_79 = arith.addi %add3A_78, %iota3A_76 : vector<1024x128xi32>
      %eq3A_80 = vector.broadcast %get3A_7 : vector<1024x1xi32> to vector<1024x128xi32>
      %eq3A_81 = arith.cmpi eq, %eq3A_80, %add3A_79 : vector<1024x128xi32>
      %convert_element_type3A_82 = arith.extui %eq3A_81 : vector<1024x128xi1> to vector<1024x128xi32>
      %convert_element_type3A_83 = arith.sitofp %convert_element_type3A_82 : vector<1024x128xi32> to vector<1024x128xf32>
      %get3A_84 = arith.constant 640 : index
      %get3A_85 = arith.constant 0 : index
      %get3A_86 = vector.load %arg11[%get3A_84, %get3A_85] : memref<2048x1xf32, #tpu.memory_space<vmem>>, vector<128x1xf32>
      %dot_general3A_87 = arith.constant dense<0.000000e+00> : vector<1024x1xf32>
      %dot_general3A_88 = tpu.matmul %convert_element_type3A_83, %get3A_86, %dot_general3A_87 {dimension_numbers = #tpu.dot_dimension_numbers<[1], [0], [0], [1], [0, 0, 1, 1], [], []>, precision = #tpu.contract_precision<fp32>, transpose_lhs_hint = false} : vector<1024x128xf32>, vector<128x1xf32>, vector<1024x1xf32> -> vector<1024x1xf32>
      %add3A_89 = arith.addf %add3A_75, %dot_general3A_88 : vector<1024x1xf32>
      %iota3A_90 = tpu.iota {dimensions = array<i32: 1>} : vector<1024x128xi32>
      %add3A_91 = arith.constant 768 : i32
      %add3A_92 = vector.broadcast %add3A_91 : i32 to vector<1024x128xi32>
      %add3A_93 = arith.addi %add3A_92, %iota3A_90 : vector<1024x128xi32>
      %eq3A_94 = vector.broadcast %get3A_7 : vector<1024x1xi32> to vector<1024x128xi32>
      %eq3A_95 = arith.cmpi eq, %eq3A_94, %add3A_93 : vector<1024x128xi32>
      %convert_element_type3A_96 = arith.extui %eq3A_95 : vector<1024x128xi1> to vector<1024x128xi32>
      %convert_element_type3A_97 = arith.sitofp %convert_element_type3A_96 : vector<1024x128xi32> to vector<1024x128xf32>
      %get3A_98 = arith.constant 768 : index
      %get3A_99 = arith.constant 0 : index
      %get3A_100 = vector.load %arg11[%get3A_98, %get3A_99] : memref<2048x1xf32, #tpu.memory_space<vmem>>, vector<128x1xf32>
      %dot_general3A_101 = arith.constant dense<0.000000e+00> : vector<1024x1xf32>
      %dot_general3A_102 = tpu.matmul %convert_element_type3A_97, %get3A_100, %dot_general3A_101 {dimension_numbers = #tpu.dot_dimension_numbers<[1], [0], [0], [1], [0, 0, 1, 1], [], []>, precision = #tpu.contract_precision<fp32>, transpose_lhs_hint = false} : vector<1024x128xf32>, vector<128x1xf32>, vector<1024x1xf32> -> vector<1024x1xf32>
      %add3A_103 = arith.addf %add3A_89, %dot_general3A_102 : vector<1024x1xf32>
      %iota3A_104 = tpu.iota {dimensions = array<i32: 1>} : vector<1024x128xi32>
      %add3A_105 = arith.constant 896 : i32
      %add3A_106 = vector.broadcast %add3A_105 : i32 to vector<1024x128xi32>
      %add3A_107 = arith.addi %add3A_106, %iota3A_104 : vector<1024x128xi32>
      %eq3A_108 = vector.broadcast %get3A_7 : vector<1024x1xi32> to vector<1024x128xi32>
      %eq3A_109 = arith.cmpi eq, %eq3A_108, %add3A_107 : vector<1024x128xi32>
      %convert_element_type3A_110 = arith.extui %eq3A_109 : vector<1024x128xi1> to vector<1024x128xi32>
      %convert_element_type3A_111 = arith.sitofp %convert_element_type3A_110 : vector<1024x128xi32> to vector<1024x128xf32>
      %get3A_112 = arith.constant 896 : index
      %get3A_113 = arith.constant 0 : index
      %get3A_114 = vector.load %arg11[%get3A_112, %get3A_113] : memref<2048x1xf32, #tpu.memory_space<vmem>>, vector<128x1xf32>
      %dot_general3A_115 = arith.constant dense<0.000000e+00> : vector<1024x1xf32>
      %dot_general3A_116 = tpu.matmul %convert_element_type3A_111, %get3A_114, %dot_general3A_115 {dimension_numbers = #tpu.dot_dimension_numbers<[1], [0], [0], [1], [0, 0, 1, 1], [], []>, precision = #tpu.contract_precision<fp32>, transpose_lhs_hint = false} : vector<1024x128xf32>, vector<128x1xf32>, vector<1024x1xf32> -> vector<1024x1xf32>
      %add3A_117 = arith.addf %add3A_103, %dot_general3A_116 : vector<1024x1xf32>
      %iota3A_118 = tpu.iota {dimensions = array<i32: 1>} : vector<1024x128xi32>
      %add3A_119 = arith.constant 1024 : i32
      %add3A_120 = vector.broadcast %add3A_119 : i32 to vector<1024x128xi32>
      %add3A_121 = arith.addi %add3A_120, %iota3A_118 : vector<1024x128xi32>
      %eq3A_122 = vector.broadcast %get3A_7 : vector<1024x1xi32> to vector<1024x128xi32>
      %eq3A_123 = arith.cmpi eq, %eq3A_122, %add3A_121 : vector<1024x128xi32>
      %convert_element_type3A_124 = arith.extui %eq3A_123 : vector<1024x128xi1> to vector<1024x128xi32>
      %convert_element_type3A_125 = arith.sitofp %convert_element_type3A_124 : vector<1024x128xi32> to vector<1024x128xf32>
      %get3A_126 = arith.constant 1024 : index
      %get3A_127 = arith.constant 0 : index
      %get3A_128 = vector.load %arg11[%get3A_126, %get3A_127] : memref<2048x1xf32, #tpu.memory_space<vmem>>, vector<128x1xf32>
      %dot_general3A_129 = arith.constant dense<0.000000e+00> : vector<1024x1xf32>
      %dot_general3A_130 = tpu.matmul %convert_element_type3A_125, %get3A_128, %dot_general3A_129 {dimension_numbers = #tpu.dot_dimension_numbers<[1], [0], [0], [1], [0, 0, 1, 1], [], []>, precision = #tpu.contract_precision<fp32>, transpose_lhs_hint = false} : vector<1024x128xf32>, vector<128x1xf32>, vector<1024x1xf32> -> vector<1024x1xf32>
      %add3A_131 = arith.addf %add3A_117, %dot_general3A_130 : vector<1024x1xf32>
      %iota3A_132 = tpu.iota {dimensions = array<i32: 1>} : vector<1024x128xi32>
      %add3A_133 = arith.constant 1152 : i32
      %add3A_134 = vector.broadcast %add3A_133 : i32 to vector<1024x128xi32>
      %add3A_135 = arith.addi %add3A_134, %iota3A_132 : vector<1024x128xi32>
      %eq3A_136 = vector.broadcast %get3A_7 : vector<1024x1xi32> to vector<1024x128xi32>
      %eq3A_137 = arith.cmpi eq, %eq3A_136, %add3A_135 : vector<1024x128xi32>
      %convert_element_type3A_138 = arith.extui %eq3A_137 : vector<1024x128xi1> to vector<1024x128xi32>
      %convert_element_type3A_139 = arith.sitofp %convert_element_type3A_138 : vector<1024x128xi32> to vector<1024x128xf32>
      %get3A_140 = arith.constant 1152 : index
      %get3A_141 = arith.constant 0 : index
      %get3A_142 = vector.load %arg11[%get3A_140, %get3A_141] : memref<2048x1xf32, #tpu.memory_space<vmem>>, vector<128x1xf32>
      %dot_general3A_143 = arith.constant dense<0.000000e+00> : vector<1024x1xf32>
      %dot_general3A_144 = tpu.matmul %convert_element_type3A_139, %get3A_142, %dot_general3A_143 {dimension_numbers = #tpu.dot_dimension_numbers<[1], [0], [0], [1], [0, 0, 1, 1], [], []>, precision = #tpu.contract_precision<fp32>, transpose_lhs_hint = false} : vector<1024x128xf32>, vector<128x1xf32>, vector<1024x1xf32> -> vector<1024x1xf32>
      %add3A_145 = arith.addf %add3A_131, %dot_general3A_144 : vector<1024x1xf32>
      %iota3A_146 = tpu.iota {dimensions = array<i32: 1>} : vector<1024x128xi32>
      %add3A_147 = arith.constant 1280 : i32
      %add3A_148 = vector.broadcast %add3A_147 : i32 to vector<1024x128xi32>
      %add3A_149 = arith.addi %add3A_148, %iota3A_146 : vector<1024x128xi32>
      %eq3A_150 = vector.broadcast %get3A_7 : vector<1024x1xi32> to vector<1024x128xi32>
      %eq3A_151 = arith.cmpi eq, %eq3A_150, %add3A_149 : vector<1024x128xi32>
      %convert_element_type3A_152 = arith.extui %eq3A_151 : vector<1024x128xi1> to vector<1024x128xi32>
      %convert_element_type3A_153 = arith.sitofp %convert_element_type3A_152 : vector<1024x128xi32> to vector<1024x128xf32>
      %get3A_154 = arith.constant 1280 : index
      %get3A_155 = arith.constant 0 : index
      %get3A_156 = vector.load %arg11[%get3A_154, %get3A_155] : memref<2048x1xf32, #tpu.memory_space<vmem>>, vector<128x1xf32>
      %dot_general3A_157 = arith.constant dense<0.000000e+00> : vector<1024x1xf32>
      %dot_general3A_158 = tpu.matmul %convert_element_type3A_153, %get3A_156, %dot_general3A_157 {dimension_numbers = #tpu.dot_dimension_numbers<[1], [0], [0], [1], [0, 0, 1, 1], [], []>, precision = #tpu.contract_precision<fp32>, transpose_lhs_hint = false} : vector<1024x128xf32>, vector<128x1xf32>, vector<1024x1xf32> -> vector<1024x1xf32>
      %add3A_159 = arith.addf %add3A_145, %dot_general3A_158 : vector<1024x1xf32>
      %iota3A_160 = tpu.iota {dimensions = array<i32: 1>} : vector<1024x128xi32>
      %add3A_161 = arith.constant 1408 : i32
      %add3A_162 = vector.broadcast %add3A_161 : i32 to vector<1024x128xi32>
      %add3A_163 = arith.addi %add3A_162, %iota3A_160 : vector<1024x128xi32>
      %eq3A_164 = vector.broadcast %get3A_7 : vector<1024x1xi32> to vector<1024x128xi32>
      %eq3A_165 = arith.cmpi eq, %eq3A_164, %add3A_163 : vector<1024x128xi32>
      %convert_element_type3A_166 = arith.extui %eq3A_165 : vector<1024x128xi1> to vector<1024x128xi32>
      %convert_element_type3A_167 = arith.sitofp %convert_element_type3A_166 : vector<1024x128xi32> to vector<1024x128xf32>
      %get3A_168 = arith.constant 1408 : index
      %get3A_169 = arith.constant 0 : index
      %get3A_170 = vector.load %arg11[%get3A_168, %get3A_169] : memref<2048x1xf32, #tpu.memory_space<vmem>>, vector<128x1xf32>
      %dot_general3A_171 = arith.constant dense<0.000000e+00> : vector<1024x1xf32>
      %dot_general3A_172 = tpu.matmul %convert_element_type3A_167, %get3A_170, %dot_general3A_171 {dimension_numbers = #tpu.dot_dimension_numbers<[1], [0], [0], [1], [0, 0, 1, 1], [], []>, precision = #tpu.contract_precision<fp32>, transpose_lhs_hint = false} : vector<1024x128xf32>, vector<128x1xf32>, vector<1024x1xf32> -> vector<1024x1xf32>
      %add3A_173 = arith.addf %add3A_159, %dot_general3A_172 : vector<1024x1xf32>
      %iota3A_174 = tpu.iota {dimensions = array<i32: 1>} : vector<1024x128xi32>
      %add3A_175 = arith.constant 1536 : i32
      %add3A_176 = vector.broadcast %add3A_175 : i32 to vector<1024x128xi32>
      %add3A_177 = arith.addi %add3A_176, %iota3A_174 : vector<1024x128xi32>
      %eq3A_178 = vector.broadcast %get3A_7 : vector<1024x1xi32> to vector<1024x128xi32>
      %eq3A_179 = arith.cmpi eq, %eq3A_178, %add3A_177 : vector<1024x128xi32>
      %convert_element_type3A_180 = arith.extui %eq3A_179 : vector<1024x128xi1> to vector<1024x128xi32>
      %convert_element_type3A_181 = arith.sitofp %convert_element_type3A_180 : vector<1024x128xi32> to vector<1024x128xf32>
      %get3A_182 = arith.constant 1536 : index
      %get3A_183 = arith.constant 0 : index
      %get3A_184 = vector.load %arg11[%get3A_182, %get3A_183] : memref<2048x1xf32, #tpu.memory_space<vmem>>, vector<128x1xf32>
      %dot_general3A_185 = arith.constant dense<0.000000e+00> : vector<1024x1xf32>
      %dot_general3A_186 = tpu.matmul %convert_element_type3A_181, %get3A_184, %dot_general3A_185 {dimension_numbers = #tpu.dot_dimension_numbers<[1], [0], [0], [1], [0, 0, 1, 1], [], []>, precision = #tpu.contract_precision<fp32>, transpose_lhs_hint = false} : vector<1024x128xf32>, vector<128x1xf32>, vector<1024x1xf32> -> vector<1024x1xf32>
      %add3A_187 = arith.addf %add3A_173, %dot_general3A_186 : vector<1024x1xf32>
      %iota3A_188 = tpu.iota {dimensions = array<i32: 1>} : vector<1024x128xi32>
      %add3A_189 = arith.constant 1664 : i32
      %add3A_190 = vector.broadcast %add3A_189 : i32 to vector<1024x128xi32>
      %add3A_191 = arith.addi %add3A_190, %iota3A_188 : vector<1024x128xi32>
      %eq3A_192 = vector.broadcast %get3A_7 : vector<1024x1xi32> to vector<1024x128xi32>
      %eq3A_193 = arith.cmpi eq, %eq3A_192, %add3A_191 : vector<1024x128xi32>
      %convert_element_type3A_194 = arith.extui %eq3A_193 : vector<1024x128xi1> to vector<1024x128xi32>
      %convert_element_type3A_195 = arith.sitofp %convert_element_type3A_194 : vector<1024x128xi32> to vector<1024x128xf32>
      %get3A_196 = arith.constant 1664 : index
      %get3A_197 = arith.constant 0 : index
      %get3A_198 = vector.load %arg11[%get3A_196, %get3A_197] : memref<2048x1xf32, #tpu.memory_space<vmem>>, vector<128x1xf32>
      %dot_general3A_199 = arith.constant dense<0.000000e+00> : vector<1024x1xf32>
      %dot_general3A_200 = tpu.matmul %convert_element_type3A_195, %get3A_198, %dot_general3A_199 {dimension_numbers = #tpu.dot_dimension_numbers<[1], [0], [0], [1], [0, 0, 1, 1], [], []>, precision = #tpu.contract_precision<fp32>, transpose_lhs_hint = false} : vector<1024x128xf32>, vector<128x1xf32>, vector<1024x1xf32> -> vector<1024x1xf32>
      %add3A_201 = arith.addf %add3A_187, %dot_general3A_200 : vector<1024x1xf32>
      %iota3A_202 = tpu.iota {dimensions = array<i32: 1>} : vector<1024x128xi32>
      %add3A_203 = arith.constant 1792 : i32
      %add3A_204 = vector.broadcast %add3A_203 : i32 to vector<1024x128xi32>
      %add3A_205 = arith.addi %add3A_204, %iota3A_202 : vector<1024x128xi32>
      %eq3A_206 = vector.broadcast %get3A_7 : vector<1024x1xi32> to vector<1024x128xi32>
      %eq3A_207 = arith.cmpi eq, %eq3A_206, %add3A_205 : vector<1024x128xi32>
      %convert_element_type3A_208 = arith.extui %eq3A_207 : vector<1024x128xi1> to vector<1024x128xi32>
      %convert_element_type3A_209 = arith.sitofp %convert_element_type3A_208 : vector<1024x128xi32> to vector<1024x128xf32>
      %get3A_210 = arith.constant 1792 : index
      %get3A_211 = arith.constant 0 : index
      %get3A_212 = vector.load %arg11[%get3A_210, %get3A_211] : memref<2048x1xf32, #tpu.memory_space<vmem>>, vector<128x1xf32>
      %dot_general3A_213 = arith.constant dense<0.000000e+00> : vector<1024x1xf32>
      %dot_general3A_214 = tpu.matmul %convert_element_type3A_209, %get3A_212, %dot_general3A_213 {dimension_numbers = #tpu.dot_dimension_numbers<[1], [0], [0], [1], [0, 0, 1, 1], [], []>, precision = #tpu.contract_precision<fp32>, transpose_lhs_hint = false} : vector<1024x128xf32>, vector<128x1xf32>, vector<1024x1xf32> -> vector<1024x1xf32>
      %add3A_215 = arith.addf %add3A_201, %dot_general3A_214 : vector<1024x1xf32>
      %iota3A_216 = tpu.iota {dimensions = array<i32: 1>} : vector<1024x128xi32>
      %add3A_217 = arith.constant 1920 : i32
      %add3A_218 = vector.broadcast %add3A_217 : i32 to vector<1024x128xi32>
      %add3A_219 = arith.addi %add3A_218, %iota3A_216 : vector<1024x128xi32>
      %eq3A_220 = vector.broadcast %get3A_7 : vector<1024x1xi32> to vector<1024x128xi32>
      %eq3A_221 = arith.cmpi eq, %eq3A_220, %add3A_219 : vector<1024x128xi32>
      %convert_element_type3A_222 = arith.extui %eq3A_221 : vector<1024x128xi1> to vector<1024x128xi32>
      %convert_element_type3A_223 = arith.sitofp %convert_element_type3A_222 : vector<1024x128xi32> to vector<1024x128xf32>
      %get3A_224 = arith.constant 1920 : index
      %get3A_225 = arith.constant 0 : index
      %get3A_226 = vector.load %arg11[%get3A_224, %get3A_225] : memref<2048x1xf32, #tpu.memory_space<vmem>>, vector<128x1xf32>
      %dot_general3A_227 = arith.constant dense<0.000000e+00> : vector<1024x1xf32>
      %dot_general3A_228 = tpu.matmul %convert_element_type3A_223, %get3A_226, %dot_general3A_227 {dimension_numbers = #tpu.dot_dimension_numbers<[1], [0], [0], [1], [0, 0, 1, 1], [], []>, precision = #tpu.contract_precision<fp32>, transpose_lhs_hint = false} : vector<1024x128xf32>, vector<128x1xf32>, vector<1024x1xf32> -> vector<1024x1xf32>
      %add3A_229 = arith.addf %add3A_215, %dot_general3A_228 : vector<1024x1xf32>
      %swap3A = arith.constant 0 : index
      %swap3A_230 = arith.constant 0 : index
      %swap3A_231 = vector.load %arg10[%swap3A, %swap3A_230] : memref<1024x1xf32, #tpu.memory_space<vmem>>, vector<1024x1xf32>
      tpu.vector_store %arg10[%swap3A, %swap3A_230], %add3A_229 {strides = array<i32>} : memref<1024x1xf32, #tpu.memory_space<vmem>>, vector<1024x1xf32>,
    } else {
    }
    return
  }
  func.func @transform_0(%arg0: i32, %arg1: memref<32xi32, #tpu.memory_space<smem>>) -> (i32, i32) {
    %min3A = arith.constant 31 : i32
    %min3A_0 = arith.minsi %arg0, %min3A : i32
    %c0_i32 = arith.constant 0 : i32
    %c0_i32_1 = arith.constant 0 : i32
    return %min3A_0, %c0_i32 : i32, i32
  }
  func.func @transform_1(%arg0: i32, %arg1: memref<32xi32, #tpu.memory_space<smem>>) -> (i32, i32) {
    %c0_i32 = arith.constant 0 : i32
    %c0_i32_0 = arith.constant 0 : i32
    %c0_i32_1 = arith.constant 0 : i32
    return %c0_i32, %c0_i32_0 : i32, i32
  }
  func.func @transform_2(%arg0: i32, %arg1: memref<32xi32, #tpu.memory_space<smem>>) -> (i32, i32, i32) {
    %min3A = arith.constant 31 : i32
    %min3A_0 = arith.minsi %arg0, %min3A : i32
    %get3A = arith.index_cast %min3A_0 : i32 to index
    %get3A_1 = memref.load %arg1[%get3A] : memref<32xi32, #tpu.memory_space<smem>>
    %c0_i32 = arith.constant 0 : i32
    %c0_i32_2 = arith.constant 0 : i32
    %c0_i32_3 = arith.constant 0 : i32
    return %get3A_1, %c0_i32, %c0_i32_2 : i32, i32, i32
  }
  func.func @transform_3(%arg0: i32, %arg1: memref<32xi32, #tpu.memory_space<smem>>) -> (i32, i32, i32) {
    %min3A = arith.constant 31 : i32
    %min3A_0 = arith.minsi %arg0, %min3A : i32
    %get3A = arith.index_cast %min3A_0 : i32 to index
    %get3A_1 = memref.load %arg1[%get3A] : memref<32xi32, #tpu.memory_space<smem>>
    %c0_i32 = arith.constant 0 : i32
    %c0_i32_2 = arith.constant 0 : i32
    %c0_i32_3 = arith.constant 0 : i32
    return %get3A_1, %c0_i32, %c0_i32_2 : i32, i32, i32
  }
  func.func @transform_4(%arg0: i32, %arg1: memref<32xi32, #tpu.memory_space<smem>>) -> (i32, i32, i32) {
    %min3A = arith.constant 31 : i32
    %min3A_0 = arith.minsi %arg0, %min3A : i32
    %get3A = arith.index_cast %min3A_0 : i32 to index
    %get3A_1 = memref.load %arg1[%get3A] : memref<32xi32, #tpu.memory_space<smem>>
    %c0_i32 = arith.constant 0 : i32
    %c0_i32_2 = arith.constant 0 : i32
    %c0_i32_3 = arith.constant 0 : i32
    return %get3A_1, %c0_i32, %c0_i32_2 : i32, i32, i32
  }
  func.func @transform_5(%arg0: i32, %arg1: memref<32xi32, #tpu.memory_space<smem>>) -> (i32, i32, i32) {
    %min3A = arith.constant 31 : i32
    %min3A_0 = arith.minsi %arg0, %min3A : i32
    %get3A = arith.index_cast %min3A_0 : i32 to index
    %get3A_1 = memref.load %arg1[%get3A] : memref<32xi32, #tpu.memory_space<smem>>
    %c0_i32 = arith.constant 0 : i32
    %c0_i32_2 = arith.constant 0 : i32
    %c0_i32_3 = arith.constant 0 : i32
    return %get3A_1, %c0_i32, %c0_i32_2 : i32, i32, i32
  }
  func.func @transform_6(%arg0: i32, %arg1: memref<32xi32, #tpu.memory_space<smem>>) -> (i32, i32, i32) {
    %min3A = arith.constant 31 : i32
    %min3A_0 = arith.minsi %arg0, %min3A : i32
    %get3A = arith.index_cast %min3A_0 : i32 to index
    %get3A_1 = memref.load %arg1[%get3A] : memref<32xi32, #tpu.memory_space<smem>>
    %c0_i32 = arith.constant 0 : i32
    %c0_i32_2 = arith.constant 0 : i32
    %c0_i32_3 = arith.constant 0 : i32
    return %get3A_1, %c0_i32, %c0_i32_2 : i32, i32, i32
  }
  func.func @transform_7(%arg0: i32, %arg1: memref<32xi32, #tpu.memory_space<smem>>) -> (i32, i32, i32) {
    %min3A = arith.constant 31 : i32
    %min3A_0 = arith.minsi %arg0, %min3A : i32
    %get3A = arith.index_cast %min3A_0 : i32 to index
    %get3A_1 = memref.load %arg1[%get3A] : memref<32xi32, #tpu.memory_space<smem>>
    %c0_i32 = arith.constant 0 : i32
    %c0_i32_2 = arith.constant 0 : i32
    %c0_i32_3 = arith.constant 0 : i32
    return %get3A_1, %c0_i32, %c0_i32_2 : i32, i32, i32
  }
  func.func @transform_8(%arg0: i32, %arg1: memref<32xi32, #tpu.memory_space<smem>>) -> (i32, i32) {
    %c0_i32 = arith.constant 0 : i32
    %c0_i32_0 = arith.constant 0 : i32
    %c0_i32_1 = arith.constant 0 : i32
    return %c0_i32, %c0_i32_0 : i32, i32
  }
}

</mosaic_0001>

<sc_bundles>
// kernel: kernel.4.cloned.1.call-start
scs
__scs_entry_jumppad:
0x0: {  	(pc) =	sbr.rel $0x88, $3  }
0x1: {  	(tag) =	ssettag $0x0;
	lr =	simm.s32 $0x1  }
0x2: {  	[smem:$0x3F98] =	sst lr;
	_ =	strace $0xD0000000  }
0x3: {  	_ = 	snop  }
0x4: {  	_ = 	snop  }
0x5: {  	_ = 	snop  }
0x6: {  	_ = 	snop  }
0x7: {  	_ = 	snop  }
__scs_overlays_trampoline_lowered:
0x8: {  	[smem:$0x3FA7] =	sst s0  }
0x9: {  	[smem:$0x3FA8] =	sst s1  }
0xa: {  	[smem:$0x3FA9] =	sst s2  }
0xb: {  	[smem:$0x3FAA] =	sst s3  }
0xc: {  	[smem:$0x3FAB] =	sst s4  }
0xd: {  	[smem:$0x3FAC] =	sst s5  }
0xe: {  	[smem:$0x3FAD] =	sst s6  }
0xf: {  	[smem:$0x3FAE] =	sst s7  }
0x10: {  	[smem:$0x3FAF] =	sst s8  }
0x11: {  	[smem:$0x3FB0] =	sst s9;
	s0 =	simm.s32 @!p0 $0x0  }
0x12: {  	s1 =	sld [smem:$0x3F96];
	s0 =	simm.s32 @p0 $0x1  }
0x13: {  	[smem:$0x3FB1] =	sst s0;
	s0 =	simm.s32 @!p1 $0x0  }
0x14: {  	s2 =	sld [smem:$0x3F95];
	s0 =	simm.s32 @p1 $0x1  }
0x15: {  	[smem:$0x3FB2] =	sst s0;
	s0 =	simm.s32 @!p2 $0x0  }
0x16: {  	s3 =	sld [smem:$0x3FDB];
	s0 =	simm.s32 @p2 $0x1  }
0x17: {  	s4 =	simm.s32 $0x1BF5;
	[smem:$0x3FB4] =	sst s0  }
0x18: {  	s0 =	sld [smem:$0x3F97];
	_ =	swait.ge [sflag:s4], $0x0  }
0x19: {  	s7 =	sld [smem:$0x3F98]  }
0x1a: {  	s8 =	sadd.s32 $0xFFFFE003, lr  }
0x1b: {  	s9 =	sadd.s32 $0xFFFFFEF7, lr;
	s5 =	simm.s32 $0xFFFFFFFF;
	p2 =	slt.u32 s8, $0xFFFFF086  }
0x1c: {  	p1 =	slt.u32 s9, $0xF7A;
	s5 =	simm.s32 @!p2 $0x0  }
0x1d: {  	s5 =	simm.s32 @p1 $0x1;
	p0 =	seq.s32 s7, s2  }
0x1e: {  	s7 =	smul.u32 @!p0 $0xF7A, s2;
	p2 =	seq.s32 @!p0 s5, $0x0  }
0x1f: {  	s9 =	smul.u32 $0xF7A, s1;
	s8 =	simm.s32 @!p0 $0x1BF5;
	p2 =	por !p2, p0  }
0x20: {  	[sflag:s8] =	ssyncset.s32 @!p0 $0xFFFFF086;
	s6 =	sadd.s32 @!p0 s3, s7;
	s7 =	simm.s32 @!p0 $0x108  }
0x21: {  	s3 =	sadd.s32 s3, s9;
	s6 =	sadd.s32 @!p0 $0x88, s6;
	s7 =	simm.s32 @p2 $0x1082  }
0x22: {  	[simem:s7], [sflag:s8] =	dma.local @!p0 [hbm:s6], $0xF7A  }
0x23: {  	s9 =	sor.u32 $0xD0000000, s2;
	s6 =	simm.s32 $0x108;
	_ =	swait.ge @!p0 [sflag:s8], $0x0  }
0x24: {  	s3 =	sadd.s32 $0x88, s3;
	s6 =	simm.s32 @!p1 $0x1082;
	[sflag:s4] =	ssyncset.s32 $0xFFFFF086  }
0x25: {  	[simem:s6], [sflag:s4] =	dma.local [hbm:s3], $0xF7A  }
0x26: {  	[smem:$0x3F98] =	sst s1;
	(tag) =	ssettag s2;
	_ =	strace s9  }
0x27: {  	s1 =	sld [smem:$0x3FA8]  }
0x28: {  	s2 =	sld [smem:$0x3FA9]  }
0x29: {  	s4 =	sld [smem:$0x3FAB]  }
0x2a: {  	p0 =	seq.s32 s5, $0x0;
	s5 =	sld [smem:$0x3FAC]  }
0x2b: {  	s6 =	sld [smem:$0x3FAD]  }
0x2c: {  	s7 =	sld [smem:$0x3FAE]  }
0x2d: {  	s3 =	simm.s32 $0x108;
	s8 =	sld [smem:$0x3FAF]  }
0x2e: {  	s3 =	simm.s32 @!p0 $0x1082;
	s9 =	sld [smem:$0x3FB0]  }
0x2f: {  	lr =	sadd.s32 s0, s3;
	s0 =	sld [smem:$0x3FA7]  }
0x30: {  	s3 =	sld [smem:$0x3FAA]  }
0x31: {  	[smem:$0x3FB3] =	sst s10  }
0x32: {  	s10 =	sld [smem:$0x3FB1];
	_ =	sdelay $0x3  }
0x33: {  	p0 =	seq.s32 s10, $0x1;
	s10 =	sld [smem:$0x3FB3];
	_ =	sdelay $0x3  }
0x34: {  	[smem:$0x3FB3] =	sst s10  }
0x35: {  	s10 =	sld [smem:$0x3FB2];
	_ =	sdelay $0x3  }
0x36: {  	p1 =	seq.s32 s10, $0x1;
	s10 =	sld [smem:$0x3FB3];
	_ =	sdelay $0x3  }
0x37: {  	[smem:$0x3FB3] =	sst s10  }
0x38: {  	s10 =	sld [smem:$0x3FB4]  }
0x39: {  	_ = 	snop;
	(pc) =	sbr.ind lr, $3  }
0x3a: {  	_ = 	snop  }
0x3b: {  	_ = 	snop  }
0x3c: {  	p2 =	seq.s32 s10, $0x1;
	s10 =	sld [smem:$0x3FB3]  }
0x3d: {  	_ =	shalt  }
0x3e: {  	_ =	shalt  }
0x3f: {  	_ =	shalt  }
0x40: {  	_ =	shalt  }
0x41: {  	_ =	shalt  }
0x42: {  	_ =	shalt  }
0x43: {  	_ =	shalt  }
0x44: {  	_ =	shalt  }
0x45: {  	_ =	shalt  }
0x46: {  	_ =	shalt  }
0x47: {  	_ =	shalt  }
0x48: {  	_ =	shalt  }
0x49: {  	_ =	shalt  }
0x4a: {  	_ =	shalt  }
0x4b: {  	_ =	shalt  }
0x4c: {  	_ =	shalt  }
0x4d: {  	_ =	shalt  }
0x4e: {  	_ =	shalt  }
0x4f: {  	_ =	shalt  }
0x50: {  	_ =	shalt  }
0x51: {  	_ =	shalt  }
0x52: {  	_ =	shalt  }
0x53: {  	_ =	shalt  }
0x54: {  	_ =	shalt  }
0x55: {  	_ =	shalt  }
0x56: {  	_ =	shalt  }
0x57: {  	_ =	shalt  }
0x58: {  	_ =	shalt  }
0x59: {  	_ =	shalt  }
0x5a: {  	_ =	shalt  }
0x5b: {  	_ =	shalt  }
0x5c: {  	_ =	shalt  }
0x5d: {  	_ =	shalt  }
0x5e: {  	_ =	shalt  }
0x5f: {  	_ =	shalt  }
0x60: {  	_ =	shalt  }
0x61: {  	_ =	shalt  }
0x62: {  	_ =	shalt  }
0x63: {  	_ =	shalt  }
0x64: {  	_ =	shalt  }
0x65: {  	_ =	shalt  }
0x66: {  	_ =	shalt  }
0x67: {  	_ =	shalt  }
0x68: {  	_ =	shalt  }
0x69: {  	_ =	shalt  }
0x6a: {  	_ =	shalt  }
0x6b: {  	_ =	shalt  }
0x6c: {  	_ =	shalt  }
0x6d: {  	_ =	shalt  }
0x6e: {  	_ =	shalt  }
0x6f: {  	_ =	shalt  }
0x70: {  	_ =	shalt  }
0x71: {  	_ =	shalt  }
0x72: {  	_ =	shalt  }
0x73: {  	_ =	shalt  }
0x74: {  	_ =	shalt  }
0x75: {  	_ =	shalt  }
0x76: {  	_ =	shalt  }
0x77: {  	_ =	shalt  }
0x78: {  	_ =	shalt  }
0x79: {  	_ =	shalt  }
0x7a: {  	_ =	shalt  }
0x7b: {  	_ =	shalt  }
0x7c: {  	_ =	shalt  }
0x7d: {  	_ =	shalt  }
0x7e: {  	_ =	shalt  }
0x7f: {  	_ =	shalt  }
0x80: {  	_ =	shalt  }
0x81: {  	_ =	shalt  }
0x82: {  	_ =	shalt  }
0x83: {  	_ =	shalt  }
0x84: {  	_ =	shalt  }
0x85: {  	_ =	shalt  }
0x86: {  	_ =	shalt  }
0x87: {  	_ =	shalt  }
.Lfunc_end0:
.L_simem_size_0:
called_computation_lowered:
.L_overlay_start_0:
0x88: {  	s2 =	sld [smem:$0x3FD9]  }
0x89: {  	s3 =	sld [smem:$0x3FFE];
	_ =	sdelay $0x1  }
0x8a: {  	s1 =	srdreg.scid  }
0x8b: {  	s0 =	sand.u32 $0x1, s1  }
0x8c: {  	s17 =	sshll.u32 s0, $0xA;
	s2 =	sadd.s32 s3, s2  }
0x8d: {  	s2 =	sadd.s32 s2, s17  }
0x8e: {  	[smem:$0x3FBF] =	sst s2  }
0x8f: {  	_ = 	snop  }
0x90: {  	s2 =	sld [smem:$0x3FC7]  }
0x91: {  	s18 =	sld [smem:$0x3FD0];
	(tm) =	ssettm $0x1  }
0x92: {  	s4 =	sld [smem:$0x3FFB];
	_ =	sdelay $0x3  }
0x93: {  	_ =	strace s4  }
0x94: {  	s4 =	sld [smem:$0x3FFC];
	_ =	sdelay $0x3  }
0x95: {  	_ =	strace s4  }
0x96: {  	s4 =	sld [smem:$0x3FFD];
	_ =	sdelay $0x3  }
0x97: {  	_ =	strace s4  }
0x98: {  	_ =	strace $0x8FFFFFFF  }
0x99: {  	s19 =	sld [smem:$0x3FDB];
	_ =	sdelay $0x1  }
0x9a: {  	s5 =	simm.s32 $_scs_section_size  }
0x9b: {  	s6 =	simm.s32 $_size__tile_overlayer_lowered;
	s7 =	simm.s32 $_tile_overlayer_lowered  }
0x9c: {  	s22 =	simm.s32 $0x1BFF;
	s21 =	sshll.u32 s7, $0x1;
	s4 =	sadd.s32 s5, s19  }
0x9d: {  	s8 =	simm.s32 $0x0;
	s20 =	sshll.u32 s6, $0x1;
	s6 =	sadd.s32 s21, s4  }
0x9e: {  	[timem:s8], [sflag:s22] =	dma.local [hbm:s6], s20  }
0x9f: {  	_ =	swait.ge [sflag:s22], s20  }
0xa0: {  	s5 =	ssub.s32 $0x0, s20;
	[sflag:s22] =	ssyncset.done $0x0  }
0xa1: {  	[sflag:s22] =	ssyncadd.s32 s5;
	_ =	sdelay $0x1  }
0xa2: {  	s23 =	simm.s32 $0x1B8B  }
0xa3: {  	_ =	swait.ge [sflag:s23], $0x1  }
0xa4: {  	[sflag:s23] =	ssyncset.done $0x0  }
0xa5: {  	s25 =	simm.s32 $0x1B8E;
	s24 =	sld [smem:$0x3FFE];
	[sflag:s23] =	ssyncadd.s32 $0xFFFFFFFF  }
0xa6: {  	s26 =	simm.s32 $execute0_lowered;
	[smem:$0x3FD2] =	sst s25  }
0xa7: {  	s6 =	sshll.u32 s26, $0x1;
	_ =	strace $0x80000046;
	[dreg:$0x1] =	wrdreg $0xFFFFFFFF  }
0xa8: {  	s28 =	simm.s32 $_size_execute0_lowered;
	s4 =	sadd.s32 s4, s6;
	[dreg:$0x0] =	wrdreg $0x0  }
0xa9: {  	s6 =	sshll.u32 s28, $0x1;
	[dreg:$0x2] =	wrdreg s4  }
0xaa: {  	[dreg:$0x3] =	wrdreg s6  }
0xab: {  	[dreg:$0x4] =	wrdreg $0xC0  }
0xac: {  	_ =	task [dreg:s8], $0x5FFFF  }
0xad: {  	[dreg:$0x1] =	wrdreg $0xFFFFFFFF  }
0xae: {  	[dreg:$0x0] =	wrdreg $0x60  }
0xaf: {  	[dreg:$0x2] =	wrdreg s24  }
0xb0: {  	[dreg:$0x3] =	wrdreg s2  }
0xb1: {  	[dreg:$0x4] =	wrdreg s18  }
0xb2: {  	[dreg:$0x5] =	wrdreg $0x9  }
0xb3: {  	_ =	task.clear_ibuf [dreg:s8], $0x6FFFF;
	_ =	strace $0x90000046  }
0xb4: {  	s29 =	simm.s32 $0x9;
	_ =	strace $0x80000048  }
0xb5: {  	_ =	swait.ge [sflag:s29], $0x1  }
0xb6: {  	[sflag:s29] =	ssyncadd.s32 $0xFFFFFFFF  }
0xb7: {  	_ =	strace $0x90000048  }
0xb8: {  	_ =	sfence  }
0xb9: {  	s30 =	sld [smem:$0x0];
	_ =	sdelay $0x2  }
0xba: {  	s31 =	sshll.u32 s1, $0xD;
	s1 =	sshrl.u32 s1, $0x2  }
0xbb: {  	s3 =	sand.u32 $0x4000, s31;
	s1 =	sadd.s32 s1, s30  }
0xbc: {  	s0 =	sor.u32 s3, s0;
	s1 =	sshll.u32 s1, $0x11  }
0xbd: {  	s0 =	sor.u32 s1, s0  }
0xbe: {  	s0 =	sadd.s32 $0x8F2B, s0  }
0xbf: {  	[sflag:s0] =	ssyncadd.remote.s32 $0x1  }
0xc0: {  	_ =	sfence.sel $0xFFFF  }
0xc1: {  	[dreg:$0x0] =	wrdreg $0xFFFFFFFF;
	(pc) =	sbr.abs _section_cstart, $3  }
0xc2: {  	[dreg:$0x1] =	wrdreg $0xFFFFFFFF  }
0xc3: {  	_ =	task.clear_ibuf [dreg:s8], $0x2FFFF;
	_ =	strace $0x9FFFFFFF  }
0xc4: {  	(tm) =	ssettm $0x7FFFFFFF  }
0xc5: {  	_ =	shalt  }
tec
execute0_lowered:
.L_overlay_start_1:
0x0: {  	(tag) =	ssettag $0x1  }
0x1: {  	s1 =	rddreg [dreg:$0x0]  }
0x2: {  	s2 =	rddreg [dreg:$0x1];
	s3 =	srdreg.scid  }
0x3: {  	s0 =	stileid.u32;
	s9 =	rddreg [dreg:$0x2]  }
0x4: {  	s17 =	simm.s32 $0x600;
	s18 =	simm.s32 $0xE00;
	s19 =	simm.s32 $0x1200  }
0x5: {  	s20 =	simm.s32 $0x1A00;
	s21 =	simm.s32 $0x1E00;
	s22 =	simm.s32 $0x2600  }
0x6: {  	s23 =	simm.s32 $0x2A00;
	s24 =	simm.s32 $0x3200;
	s28 =	simm.s32 $0x480  }
0x7: {  	s29 =	simm.s32 $0x3600;
	s30 =	simm.s32 $0x0;
	s10 =	sand.u32 $0x1, s3  }
0x8: {  	s4 =	sshll.u32 s0, $0x1;
	s3 =	simm.s32 $0x0;
	s5 =	sadd.s32 $0x25800, s1  }
0x9: {  	s12 =	sshll.u32 s0, $0x2;
	s15 =	sshll.u32 s0, $0x8;
	s14 =	sor.u32 s10, s4  }
0xa: {  	[smem:$0x7FF] =	sst s3;
	s6 =	ssub.s32 $0x2, s10;
	s26 =	sor.u32 s0, s10  }
0xb: {  	s13 =	sshll.u32 s10, $0x1;
	s16 =	sshll.u32 s10, $0x7;
	s4 =	smul.u32 $0x600, s14  }
0xc: {  	_ =	strace $0x80000047;
	s8 =	sshrl.u32 s6, $0x1;
	s25 =	sshll.u32 s14, $0x2  }
0xd: {  	s12 =	sor.u32 s12, s13;
	s31 =	sor.u32 s16, s15;
	p0 =	seq.s32 s14, $0x0  }
0xe: {  	s15 =	simm.s32 $0x400;
	s16 =	simm.s32 $0x500;
	p1 =	sne.s32 s26, $0x0  }
.Ltmp0:
0xf: {  	s26 =	simm.s32 $0x580;
	s11 =	ssub.s32 s6, s8;
	(pc) =	sbr.rel .LBB2_1-.Ltmp0, $4  }
0x10: {  	v0 =	vimm.s32 $0x0;
	v1 =	vimm.s32 $0x1;
	v2 =	vlaneseq.u32;
	s6 =	sshll.u32 s14, $0x5;
	s8 =	sadd.s32 $0xD900, s1;
	s9 =	sadd.s32 s9, s25  }
0x11: {  	vm0 =	vmmov $0xffff;
	vm1 =	vmmov $0xff;
	v7 =	vmul.u32 $0x40, v2;
	s13 =	sshrl.u32 s31, $0x2;
	s14 =	simm.s32 $0x2;
	s25 =	simm.s32 $0x1  }
0x12: {  	v4 =	vshrl.u32 v2, $0x3;
	v3 =	vand.u32 $0x7, v2;
	v5 =	vor.u32 $0x8, v2;
	s7 =	sadd.s32 s4, s1;
	s4 =	sadd.s32 $0xD800, s1;
	s10 =	smax.u32 s11, $0x1  }
0x13: {  	v4 =	vmul.u32 $0x8, v4;
	v6 =	vor.u32 $0x1, v7;
	v7 =	vor.u32 $0x401, v7;
	s11 =	smax.u32 s12, $0x1;
	s12 =	ssub.s32 $0x40, s12;
	s7 =	sadd.s32 $0x1800, s7  }
.LBB2_14:
0x14: {  	v11 =	vsel vm3, $0x1, v0;
	vm3 =	vlt.s32 v10, v6;
	v61 =	vsel vm2, $0x1, v0  }
0x15: {  	vm2 =	vlt.s32 v10, v7;
	v8 =	vadd.s32 v11, v8;
	v62 =	vsel vm3, $0x1, v0  }
0x16: {  	v9 =	vadd.s32 v61, v9;
	v63 =	vsel vm2, $0x1, v0;
	v8 =	vadd.s32 v62, v8  }
0x17: {  	v9 =	vadd.s32 v63, v9;
	vm2 =	vlt.s32 v8, $0xF  }
0x18: {  	v8 =	vnsel vm2, $0xF, v8;
	vm2 =	vlt.s32 v9, $0xF  }
0x19: {  	[tilespmem:$0x3600] =	vst v8;
	v8 =	vnsel vm2, $0xF, v9  }
0x1a: {  	[tilespmem:$0x3610] =	vst v8  }
0x1b: {  	[hbm4b:s5+s3] =	stream.linear.scatter [tilespmem:s29], [sflag:$0x2], $0x80, $0x38;
	[tilespmem:$0x3680] =	vst v63  }
0x1c: {  	_ =	swait.ge [sflag:s14], $0x80  }
0x1d: {  	[sflag:s14] =	ssyncset.done $0x0  }
0x1e: {  	[sflag:s14] =	ssyncadd.s32 $0xFFFFFF80  }
.LBB2_15:
0x1f: {  	s30 =	sadd.s32 $0x1, s30  }
0x20: {  	p2 =	sne.s32 s30, s10  }
.Ltmp1:
0x21: {  	_ = 	snop;
	(pc) =	sbr.rel @!p2 .LBB2_16-.Ltmp1, $1  }
0x22: {  	_ =	sdelay $0x3  }
.LBB2_1:
0x23: {  	[tilespmem:s3], [sflag:$0x2] =	stream.linear.gather [hbm4b:s2+s3], $0x400, $0x38;
	[tilespmem:$0x3680] =	vst v63  }
.Ltmp2:
0x24: {  	_ = 	snop;
	(pc) =	sbr.rel @p0 .LBB2_5-.Ltmp2, $4  }
0x25: {  	_ =	swait.ge [sflag:s14], $0x400  }
0x26: {  	[sflag:s14] =	ssyncset.done $0x0  }
0x27: {  	[sflag:s14] =	ssyncadd.s32 $0xFFFFFC00  }
0x28: {  	[tilespmem:$0x400] =	vst v0  }
0x29: {  	p2 =	sne.s32 s11, $0x1  }
.Ltmp3:
0x2a: {  	_ = 	snop;
	(pc) =	sbr.rel @!p2 .LBB2_4-.Ltmp3, $2  }
0x2b: {  	_ =	sdelay $0x2  }
0x2c: {  	v8 =	vld [tilespmem:s3+$0x0];
	s31 =	sadd.s32 $0xFFFFFFFF, s11;
	s1 =	simm.s32 $0x0  }
.LBB2_3:
0x2d: {  	p2 =	sne.s32 s31, $0x1;
	_ =	sdelay $0x3  }
.Ltmp4:
0x2e: {  	(pc) =	sbr.rel @p2 .LBB2_3-.Ltmp4, $3  }
0x2f: {  	_ =	sdelay $0x1  }
0x30: {  	s1 =	sadd.s32 $0x10, s1;
	[tilespmem:v8+s15+$0x0] =	vst.idx.add.s32.msk $0xffff, v1  }
0x31: {  	s31 =	sadd.s32 $0xFFFFFFFF, s31;
	v8 =	vld [tilespmem:s1+$0x0]  }
.LBB2_4:
0x32: {  	_ =	sdelay $0x7  }
0x33: {  	[tilespmem:v8+s15+$0x0] =	vst.idx.add.s32.msk $0xffff, v1  }
.LBB2_5:
0x34: {  	v8 =	vld [tilespmem:$0x400]  }
0x35: {  	p2 =	sne.s32 s12, $0x1  }
.Ltmp5:
0x36: {  	_ = 	snop;
	(pc) =	sbr.rel @!p2 .LBB2_7-.Ltmp5, $3  }
0x37: {  	_ =	sdelay $0x1  }
0x38: {  	[tilespmem:$0x480] =	vst v8  }
0x39: {  	s31 =	sadd.s32 $0xFFFFFFFF, s12;
	s1 =	smov.u32 s13;
	v8 =	vld [tilespmem:s13+$0x0]  }
.LBB2_6:
0x3a: {  	p2 =	sne.s32 s31, $0x1;
	_ =	sdelay $0x3  }
.Ltmp6:
0x3b: {  	(pc) =	sbr.rel @p2 .LBB2_6-.Ltmp6, $3  }
0x3c: {  	_ =	sdelay $0x1  }
0x3d: {  	s1 =	sadd.s32 $0x10, s1;
	[tilespmem:v8+s15+$0x0] =	vst.idx.add.s32.msk $0xffff, v1  }
0x3e: {  	s31 =	sadd.s32 $0xFFFFFFFF, s31;
	v8 =	vld [tilespmem:s1+$0x0]  }
.LBB2_7:
0x3f: {  	_ =	sdelay $0x7  }
0x40: {  	[tilespmem:v8+s15+$0x0] =	vst.idx.add.s32.msk $0xffff, v1  }
0x41: {  	v8 =	vld [tilespmem:$0x400];
	_ =	sdelay $0x4  }
0x42: {  	v8 =	vadd.s32 $0x3F, v8  }
0x43: {  	v9 =	vshra.s32 v8, $0x1F;
	v10 =	vand.u32 $0x3F, v8  }
0x44: {  	vm2 =	vlt.s32 v8, $0x1;
	v9 =	vshrl.u32 v9, $0x1A;
	vm3 =	vne.s32 v10, $0x0  }
0x45: {  	v8 =	vadd.s32 v9, v8;
	vm2 =	vmand vm2, vm3  }
0x46: {  	v8 =	vshrl.u32 v8, $0x6;
	v9 =	vsel vm2, $0xFFFFFFFF, v0  }
0x47: {  	v8 =	vadd.s32 v9, v8  }
0x48: {  	v9 =	vshll.u32 v8, $0x6  }
0x49: {  	(xrf0) =	vadd.scan.msk.s32 $0xffff, v9  }
0x4a: {  	v10 =	vld [tilespmem:$0x480];
	_ =	sdelay $0x4  }
0x4b: {  	v9 =	vsub.s32 v10, v9;
	v8, _, _ =	vpop (xrf0)  }
0x4c: {  	v9 =	vadd.s32 v8, v9  }
0x4d: {  	[tilespmem:$0x400] =	vst v9  }
0x4e: {  	s1 =	simm.s32 $0x0;
	v9 =	vld [tilespmem:s6+$0x0]  }
0x4f: {  	v14 =	vmov s1;
	_ =	sdelay $0x2  }
0x50: {  	s1 =	simm.s32 $0x1  }
0x51: {  	v12 =	vmov s1;
	[tilespmem:$0x500] =	vst v9  }
0x52: {  	v15 =	vld.idx.msk [tilespmem:v14+s16+$0x0], $0xffff;
	_ =	sdelay $0x3  }
0x53: {  	v13 =	vld.idx.msk [tilespmem:v12+s16+$0x0], $0xffff  }
0x54: {  	v11 =	vimm.s32 $0x0;
	s31 =	simm.s32 $0x2;
	vm3 =	vlt.u32 v14, v2;
	v10 =	vld.idx.msk [tilespmem:v9+s15+$0x0], $0xffff;
	vm2 =	veq.s32 v9, v15  }
.LBB2_8:
0x55: {  	v14 =	vmov s31;
	p2 =	sne.s32 s31, $0xE;
	s31 =	sadd.s32 $0x1, s31;
	vm2 =	vmand vm3, vm2  }
.Ltmp7:
0x56: {  	v15 =	vsel vm2, $0x1, v0;
	(pc) =	sbr.rel @p2 .LBB2_8-.Ltmp7, $2  }
0x57: {  	v11 =	vadd.s32 v15, v11;
	_ =	sdelay $0x2  }
0x58: {  	vm3 =	vlt.u32 v12, v2;
	v12 =	vmov v14;
	vm2 =	veq.s32 v9, v13;
	v13 =	vld.idx.msk [tilespmem:v14+s16+$0x0], $0xffff  }
0x59: {  	_ =	sdelay $0x3  }
0x5a: {  	vm2 =	vmand vm3, vm2;
	vm4 =	vlt.u32 v12, v2;
	vm3 =	veq.s32 v9, v13  }
0x5b: {  	v12 =	vsel vm2, $0x1, v0;
	vm2 =	vmand vm4, vm3  }
0x5c: {  	v11 =	vadd.s32 v12, v11;
	v12 =	vsel vm2, $0x1, v0  }
0x5d: {  	v11 =	vadd.s32 v12, v11  }
0x5e: {  	v10 =	vadd.s32 v10, v11  }
0x5f: {  	[tilespmem:$0x580] =	vst v10  }
0x60: {  	[tilespmem:v9+s15+$0x0] =	vst.idx.add.s32.msk $0xffff, v1  }
0x61: {  	s1 =	simm.s32 $0x0;
	v9 =	vld [tilespmem:s6+$0x10]  }
0x62: {  	v14 =	vmov s1;
	_ =	sdelay $0x2  }
0x63: {  	s1 =	simm.s32 $0x1  }
0x64: {  	v12 =	vmov s1;
	[tilespmem:$0x500] =	vst v9  }
0x65: {  	v15 =	vld.idx.msk [tilespmem:v14+s16+$0x0], $0xffff;
	_ =	sdelay $0x3  }
0x66: {  	v13 =	vld.idx.msk [tilespmem:v12+s16+$0x0], $0xffff  }
0x67: {  	s31 =	simm.s32 $0x2;
	vm3 =	vlt.u32 v14, v2;
	v11 =	vimm.s32 $0x0;
	v10 =	vld.idx.msk [tilespmem:v9+s15+$0x0], $0xffff;
	vm2 =	veq.s32 v9, v15  }
.LBB2_10:
0x68: {  	v14 =	vmov s31;
	p2 =	sne.s32 s31, $0xE;
	s31 =	sadd.s32 $0x1, s31;
	vm2 =	vmand vm3, vm2  }
.Ltmp8:
0x69: {  	v15 =	vsel vm2, $0x1, v0;
	(pc) =	sbr.rel @p2 .LBB2_10-.Ltmp8, $2  }
0x6a: {  	v11 =	vadd.s32 v15, v11;
	_ =	sdelay $0x2  }
0x6b: {  	vm3 =	vlt.u32 v12, v2;
	v12 =	vmov v14;
	vm2 =	veq.s32 v9, v13;
	v13 =	vld.idx.msk [tilespmem:v14+s16+$0x0], $0xffff  }
0x6c: {  	_ =	sdelay $0x3  }
0x6d: {  	vm2 =	vmand vm3, vm2;
	vm4 =	vlt.u32 v12, v2;
	vm3 =	veq.s32 v9, v13  }
0x6e: {  	v62 =	vsel vm2, $0x1, v0;
	vm2 =	vmand vm4, vm3  }
0x6f: {  	v11 =	vadd.s32 v62, v11;
	v63 =	vsel vm2, $0x1, v0  }
0x70: {  	v11 =	vadd.s32 v63, v11  }
0x71: {  	v10 =	vadd.s32 v10, v11  }
0x72: {  	[tilespmem:$0x590] =	vst v10  }
0x73: {  	[tilespmem:v9+s15+$0x0] =	vst.idx.add.s32.msk $0xffff, v1  }
0x74: {  	[tilespmem:s17], [sflag:$0x2] =	stream.linear.gather [hbm4b:s7+s3], $0x3000, $0x38;
	[tilespmem:$0x3680] =	vst v63  }
0x75: {  	_ =	swait.ge [sflag:s14], $0x3000  }
0x76: {  	[sflag:s14] =	ssyncset.done $0x0  }
0x77: {  	[sflag:s14] =	ssyncadd.s32 $0xFFFFD000  }
0x78: {  	v9 =	vld [tilespmem:$0x580];
	_ =	sdelay $0x4  }
0x79: {  	v10 =	vshrl.u32 v9, $0x3  }
0x7a: {  	v10 =	vmul.u32 $0x18, v10  }
0x7b: {  	v9 =	vand.u32 $0x7, v9  }
0x7c: {  	v9 =	vor.u32 v9, v10  }
0x7d: {  	v10 =	vperm.xlane v9, v3;
	_ =	sdelay $0x1  }
0x7e: {  	v10 =	vadd.s32 v4, v10;
	_ =	sdelay $0x1  }
0x7f: {  	v9 =	vperm.xlane v9, v5;
	_ =	sdelay $0x1  }
0x80: {  	v9 =	vadd.s32 v4, v9  }
0x81: {  	[hbm4b:s4+s3] =	stream.indirect_vreg.scatter [tilespmem:s17], [sflag:$0x1], $0x80, v10, vm0, $0xb8;
	[tilespmem:$0x3680] =	vst v63  }
0x82: {  	_ = 	snop  }
0x83: {  	[hbm4b:s8+s3] =	stream.indirect_vreg.scatter [tilespmem:s18], [sflag:$0x1], $0x80, v10, vm1, $0xb8;
	[tilespmem:$0x3680] =	vst v63  }
0x84: {  	_ = 	snop  }
0x85: {  	[hbm4b:s4+s3] =	stream.indirect_vreg.scatter [tilespmem:s19], [sflag:$0x1], $0x80, v9, vm0, $0xb8;
	[tilespmem:$0x3680] =	vst v63  }
0x86: {  	_ = 	snop  }
0x87: {  	[hbm4b:s8+s3] =	stream.indirect_vreg.scatter [tilespmem:s20], [sflag:$0x1], $0x80, v9, vm1, $0xb8;
	[tilespmem:$0x3680] =	vst v63  }
0x88: {  	v9 =	vld [tilespmem:$0x590];
	_ =	sdelay $0x4  }
0x89: {  	v10 =	vshrl.u32 v9, $0x3  }
0x8a: {  	v10 =	vmul.u32 $0x18, v10  }
0x8b: {  	v9 =	vand.u32 $0x7, v9  }
0x8c: {  	v9 =	vor.u32 v9, v10  }
0x8d: {  	v10 =	vperm.xlane v9, v3;
	_ =	sdelay $0x1  }
0x8e: {  	v10 =	vadd.s32 v4, v10;
	_ =	sdelay $0x1  }
0x8f: {  	v9 =	vperm.xlane v9, v5;
	_ =	sdelay $0x1  }
0x90: {  	v9 =	vadd.s32 v4, v9  }
0x91: {  	[hbm4b:s4+s3] =	stream.indirect_vreg.scatter [tilespmem:s21], [sflag:$0x1], $0x80, v10, vm0, $0xb8;
	[tilespmem:$0x3680] =	vst v63  }
0x92: {  	_ = 	snop  }
0x93: {  	[hbm4b:s8+s3] =	stream.indirect_vreg.scatter [tilespmem:s22], [sflag:$0x1], $0x80, v10, vm1, $0xb8;
	[tilespmem:$0x3680] =	vst v63  }
0x94: {  	_ = 	snop  }
0x95: {  	[hbm4b:s4+s3] =	stream.indirect_vreg.scatter [tilespmem:s23], [sflag:$0x1], $0x80, v9, vm0, $0xb8;
	[tilespmem:$0x3680] =	vst v63  }
0x96: {  	_ = 	snop  }
0x97: {  	[hbm4b:s8+s3] =	stream.indirect_vreg.scatter [tilespmem:s24], [sflag:$0x1], $0x80, v9, vm1, $0xb8;
	[tilespmem:$0x3680] =	vst v63  }
0x98: {  	_ =	swait.ge [sflag:s25], $0x3000  }
0x99: {  	[sflag:s25] =	ssyncset.done $0x0  }
.Ltmp9:
0x9a: {  	[sflag:s25] =	ssyncadd.s32 $0xFFFFD000;
	(pc) =	sbr.rel @p1 .LBB2_15-.Ltmp9, $4  }
0x9b: {  	[hbm4b:s9+s3] =	stream.linear.scatter [tilespmem:s26], [sflag:$0x2], $0x20, $0x38;
	[tilespmem:$0x3680] =	vst v63  }
0x9c: {  	_ =	swait.ge [sflag:s14], $0x20  }
0x9d: {  	[sflag:s14] =	ssyncset.done $0x0  }
0x9e: {  	[sflag:s14] =	ssyncadd.s32 $0xFFFFFFE0  }
0x9f: {  	s1 =	simm.s32 $0x0  }
0xa0: {  	v9 =	vmov s1;
	_ =	sdelay $0x3  }
0xa1: {  	[tilespmem:$0x480] =	vst v8;
	s1 =	simm.s32 $0x1  }
0xa2: {  	v10 =	vmov s1;
	v9 =	vld.idx.msk [tilespmem:v9+s28+$0x0], $0xffff;
	_ =	sdelay $0x3  }
0xa3: {  	v8 =	vimm.s32 $0x0  }
0xa4: {  	s31 =	simm.s32 $0x2;
	v10 =	vld.idx.msk [tilespmem:v10+s28+$0x0], $0xffff;
	vm3 =	vlt.s32 v9, v6;
	vm2 =	vlt.s32 v9, v7;
	v9 =	vimm.s32 $0x0  }
.LBB2_13:
0xa5: {  	v11 =	vmov s31;
	p2 =	sne.s32 s31, $0xF;
	s31 =	sadd.s32 $0x1, s31;
	v12 =	vsel vm3, $0x1, v0;
	v13 =	vsel vm2, $0x1, v0  }
.Ltmp10:
0xa6: {  	v8 =	vadd.s32 v12, v8;
	v9 =	vadd.s32 v13, v9;
	(pc) =	sbr.rel @p2 .LBB2_13-.Ltmp10, $2  }
0xa7: {  	_ =	sdelay $0x2  }
0xa8: {  	vm3 =	vlt.s32 v10, v6;
	vm2 =	vlt.s32 v10, v7;
	v10 =	vld.idx.msk [tilespmem:v11+s28+$0x0], $0xffff  }
.Ltmp11:
0xa9: {  	_ = 	snop;
	(pc) =	sbr.rel .LBB2_14-.Ltmp11, $1  }
0xaa: {  	_ =	sdelay $0x3  }
.LBB2_16:
0xab: {  	_ =	sfence.sel $0x180000  }
0xac: {  	[bflag:$0x0] =	sbarrier.arrive $0xFFFF  }
0xad: {  	_ =	strace $0x90000047  }
0xae: {  	[bflag:$0x2] =	sbarrier.arrive $0xFFFF  }
0xaf: {  	p0 =	sne.s32 s0, $0x0;
	s0 =	rddreg [dreg:$0x3]  }
0xb0: {  	s0 =	sadd.s32 @!p0 $0x100000, s0  }
0xb1: {  	[sflag:s0] =	ssyncadd.tile.s32 @!p0 $0x1;
	_ =	shalt  }
.Lfunc_end2:
_tile_overlayer_lowered:
.L_overlay_start_2:
0xb2: {  	(tag) =	ssettag $0x2  }
0xb3: {  	s0 =	rddreg [dreg:$0x0];
	s2 =	stileid.u32  }
0xb4: {  	s1 =	rddreg [dreg:$0x1];
	p0 =	sne.s32 s2, $0x0  }
0xb5: {  	s3 =	rddreg [dreg:$0x2];
	[bflag:$0x3] =	sbarrier.arrive $0xFFFF;
	s2 =	simm.s32 @!p0 $0x1C02  }
0xb6: {  	[timem:s3], [sflag:s2] =	dma.local @!p0 [hbm:s0], s1  }
0xb7: {  	s0 =	simm.s32 @!p0 $0x2  }
0xb8: {  	_ =	swait.ge @!p0 [sflag:s0], s1  }
0xb9: {  	s1 =	ssub.s32 @!p0 $0x0, s1;
	[sflag:s0] =	ssyncset.done @!p0 $0x0  }
0xba: {  	[sflag:s0] =	ssyncadd.s32 @!p0 s1  }
0xbb: {  	[bflag:$0x3] =	sbarrier.arrive $0xFFFF  }
0xbc: {  	_ =	shalt  }

</sc_bundles>
